<compile_context>
chip_gen: v7x
topology: tpu7x:2x2x1
jax: 0.10.2.dev20260603
libtpu: 0.0.44.dev20260713+nightly
codegen_flags: <defaults>
</compile_context>

<pallas_src>
import jax
import jax.numpy as jnp
from jax import lax
from jax.experimental import pallas as pl
from jax.experimental.pallas import tpu as pltpu
from jax.experimental.pallas import tpu_sc as plsc

_B, _N, _K = 8, 512, 2048
_NS, _L = 16, 16
_KPT = (_B * _K) // _NS
_ITERS = _KPT // _L
_SLAB = _N * 4


def _dist_loss_body(h_ind_hbm, v_ind_hbm, lp_hbm, lc_hbm, out_hbm,
                    idx_v, tabs_v, part_v, red_v, out_v, shared, sem, sem2):
    s = lax.axis_index("s")
    b = s // 2

    cp0 = pltpu.async_copy(h_ind_hbm.at[pl.ds(s * _KPT, _KPT)],
                           idx_v.at[pl.ds(0, _KPT)], sem2)
    cp1 = pltpu.async_copy(v_ind_hbm.at[pl.ds(s * _KPT, _KPT)],
                           idx_v.at[pl.ds(_KPT, _KPT)], sem2)
    cp2 = pltpu.async_copy(lp_hbm.at[pl.ds(b * _SLAB, _SLAB)],
                           tabs_v.at[pl.ds(0, _SLAB)], sem)
    cp3 = pltpu.async_copy(lc_hbm.at[pl.ds(b * _SLAB, _SLAB)],
                           tabs_v.at[pl.ds(_SLAB, _SLAB)], sem)
    cp0.wait()
    cp1.wait()
    cp2.wait()
    cp3.wait()

    def make_body(base, coff):
        def body(k, carry):
            acc_t, acc_m = carry
            idx = idx_v[pl.ds(base + k * _L, _L)]
            fi = (lax.shift_right_logical(idx, 16) * 512 + coff
                  + lax.bitwise_and(lax.shift_right_logical(idx, 9), 127))
            fj = (lax.bitwise_and(lax.shift_right_logical(idx, 7), 3) * 512
                  + coff + lax.bitwise_and(idx, 127))
            pi = plsc.load_gather(tabs_v, [fi])
            pj = plsc.load_gather(tabs_v, [fj])
            gi = plsc.load_gather(tabs_v, [fi + _SLAB])
            gj = plsc.load_gather(tabs_v, [fj + _SLAB])
            dist = (pj - pi) * jnp.sign(gj - gi)
            m = (idx != 0).astype(jnp.float32)
            t = jnp.maximum(0.0, (1.0 - dist) * m)
            return acc_t + t, acc_m + m
        return body

    zero = jnp.zeros((_L,), jnp.float32)
    h_t, h_m = lax.fori_loop(0, _ITERS, make_body(0, 256), (zero, zero))
    v_t, v_m = lax.fori_loop(0, _ITERS, make_body(_KPT, 0), (zero, zero))

    part_v[pl.ds(0, _L)] = h_t
    part_v[pl.ds(_L, _L)] = h_m
    part_v[pl.ds(2 * _L, _L)] = v_t
    part_v[pl.ds(3 * _L, _L)] = v_m
    pltpu.sync_copy(part_v, shared.at[pl.ds(s * 4 * _L, 4 * _L)])
    plsc.subcore_barrier()

    @pl.when(s == 0)
    def _():
        pltpu.sync_copy(shared, red_v)

        def rbody(t, carry):
            aht, ahm, avt, avm = carry
            aht = aht + red_v[pl.ds(t * 4 * _L, _L)]
            ahm = ahm + red_v[pl.ds(t * 4 * _L + _L, _L)]
            avt = avt + red_v[pl.ds(t * 4 * _L + 2 * _L, _L)]
            avm = avm + red_v[pl.ds(t * 4 * _L + 3 * _L, _L)]
            return aht, ahm, avt, avm

        aht, ahm, avt, avm = lax.fori_loop(
            0, _NS, rbody, (zero, zero, zero, zero))
        htv = jnp.broadcast_to(jnp.sum(aht), (_L,))
        hmv = jnp.broadcast_to(jnp.sum(ahm), (_L,))
        vtv = jnp.broadcast_to(jnp.sum(avt), (_L,))
        vmv = jnp.broadcast_to(jnp.sum(avm), (_L,))
        out_v[...] = htv / (hmv + 1e-5) + vtv / (vmv + 1e-5)
        pltpu.sync_copy(out_v, out_hbm)


_launch = pl.kernel(
    _dist_loss_body,
    out_type=jax.ShapeDtypeStruct((_L,), jnp.float32),
    mesh=plsc.VectorSubcoreMesh(
        core_axis_name="c", subcore_axis_name="s",
        num_cores=1, num_subcores=_NS),
    compiler_params=pltpu.CompilerParams(needs_layout_passes=False),
    scratch_types=[
        pltpu.VMEM((2 * _KPT,), jnp.int32),
        pltpu.VMEM((2 * _SLAB,), jnp.float32),
        pltpu.VMEM((4 * _L,), jnp.float32),
        pltpu.VMEM((_NS * 4 * _L,), jnp.float32),
        pltpu.VMEM((_L,), jnp.float32),
        pltpu.VMEM_SHARED((_NS * 4 * _L,), jnp.float32),
        pltpu.SemaphoreType.DMA,
        pltpu.SemaphoreType.DMA,
    ],
)


def _phys_view(x):
    return x.reshape(_B, 4, 128, 4).transpose(0, 1, 3, 2).reshape(-1)


@jax.jit
def kernel(h_pair_ind, v_pair_ind, logic, logi):
    out = _launch(h_pair_ind.reshape(-1), v_pair_ind.reshape(-1),
                  _phys_view(logi), _phys_view(logic))
    return out[0]

# --- scband reference (transcript-rebuilt; emitter-appended) ---
"""Pipeline reference for scband-dist-loss-63634235457983 (READ-ONLY COPY).

The authoritative reference and input builder live on the scoring server;
editing this copy changes nothing except your own understanding.
"""

import jax, jax.numpy as jnp
import numpy as np

B, N, K = 8, 512, 2048

def _make_pair_feat(feat):
    b, n, c = feat.shape
    f1 = jnp.broadcast_to(feat[:, :, None, :], (b, n, n, c))
    f2 = jnp.broadcast_to(feat[:, None, :, :], (b, n, n, c))
    return jnp.concatenate([f1, f2], axis=3)

def _flatten_and_gather_feat(feat, ind):
    b, n, _, c2 = feat.shape
    flat = feat.reshape(b, n * n, c2)
    idx = jnp.broadcast_to(ind[:, :, None], (b, ind.shape[1], c2))
    return jnp.take_along_axis(flat, idx, axis=1)

def rank_dist(pred, gt, rtype='horizontal'):
    # pred/gt: [B, K, 8] paired logical coords (first 4 = cell i, last 4 = cell j)
    # coord layout: [row_start, row_end, col_start, col_end]
    if rtype == 'horizontal':
        i_s, j_s = 2, 6  # compare column starts of the two cells
    else:
        i_s, j_s = 0, 4  # compare row starts of the two cells
    direction = jnp.sign(gt[:, :, j_s] - gt[:, :, i_s])
    return (pred[:, :, j_s] - pred[:, :, i_s]) * direction

def setup_inputs(seed: int = 0):
    key = jax.random.key(seed)
    k1, k2, k3, k4 = jax.random.split(key, 4)
    h_pair_ind = jax.random.randint(k1, (B, K), 0, N * N, dtype=jnp.int32)
    v_pair_ind = jax.random.randint(k2, (B, K), 0, N * N, dtype=jnp.int32)
    logic = jnp.floor(jax.random.uniform(k3, (B, N, 4), dtype=jnp.float32) * 30.0)
    logi = jax.random.normal(k4, (B, N, 4), dtype=jnp.float32) * 10.0
    return {"h_pair_ind": h_pair_ind, "v_pair_ind": v_pair_ind, "logic": logic, "logi": logi}

def reference(h_pair_ind, v_pair_ind, logic, logi):
    pred = logi
    pred_pair = _make_pair_feat(pred)
    h_pred = _flatten_and_gather_feat(pred_pair, h_pair_ind)
    v_pred = _flatten_and_gather_feat(pred_pair, v_pair_ind)
    logic_pair = _make_pair_feat(logic)
    h_pair = _flatten_and_gather_feat(logic_pair, h_pair_ind)
    v_pair = _flatten_and_gather_feat(logic_pair, v_pair_ind)
    h_dist = jnp.squeeze(rank_dist(h_pred, h_pair, 'horizontal'))
    v_dist = jnp.squeeze(rank_dist(v_pred, v_pair, 'vertical'))
    h_mask = (h_pair_ind != 0).astype(jnp.float32)
    v_mask = (v_pair_ind != 0).astype(jnp.float32)
    loss = (jnp.maximum(jnp.zeros_like(h_dist), (1.0 - h_dist) * h_mask).sum() / (h_mask.sum() + 1e-05)
            + jnp.maximum(jnp.zeros_like(v_dist), (1.0 - v_dist) * v_mask).sum() / (v_mask.sum() + 1e-05))
    return loss

if False:  # reference __main__ guard neutralized (emitter)
    out = reference(**setup_inputs())
    print(out)

if __name__ == "__main__":
    import jax
    _d = setup_inputs()
    print(jax.jit(kernel)(*tuple(_d.values())))

</pallas_src>

<mosaic_0001>
#map = affine_map<(d0, d1) -> (0)>
module attributes {stable_mosaic.version = 14 : i64} {
  func.func @_dist_loss_body(%arg0: i32, %arg1: i32, %arg2: memref<16384xi32, #tpu.memory_space<hbm>>, %arg3: memref<16384xi32, #tpu.memory_space<hbm>>, %arg4: memref<16384xf32, #tpu.memory_space<hbm>>, %arg5: memref<16384xf32, #tpu.memory_space<hbm>>, %arg6: memref<16xf32, #tpu.memory_space<hbm>>, %arg7: memref<2048xi32, #tpu.memory_space<vmem>>, %arg8: memref<4096xf32, #tpu.memory_space<vmem>>, %arg9: memref<64xf32, #tpu.memory_space<vmem>>, %arg10: memref<1024xf32, #tpu.memory_space<vmem>>, %arg11: memref<16xf32, #tpu.memory_space<vmem>>, %arg12: memref<1024xf32, #tpu.memory_space<vmem_shared>>, %arg13: memref<!tpu.dma_semaphore, #tpu.memory_space<semaphore_mem>>, %arg14: memref<!tpu.dma_semaphore, #tpu.memory_space<semaphore_mem>>) attributes {dimension_semantics = [#tpu.dimension_semantics<core_parallel>, #tpu.dimension_semantics<subcore_parallel>], iteration_bounds = array<i64: 1, 16>, scalar_prefetch = 0 : i64, scratch_operands = 8 : i64, tpu.core_type = #tpu.core_type<sc_vector_subcore>, window_params = [{transform_indices = #map}, {transform_indices = #map}, {transform_indices = #map}, {transform_indices = #map}, {transform_indices = #map}]} {
    %jit3A = arith.constant 2 : i32
    %div3A = arith.divsi %arg1, %jit3A : i32
    %sign3A = arith.constant 0 : i32
    %sign3A_0 = arith.cmpi sgt, %arg1, %sign3A : i32
    %sign3A_1 = arith.extui %sign3A_0 : i1 to i32
    %sign3A_2 = arith.constant 0 : i32
    %sign3A_3 = arith.cmpi slt, %arg1, %sign3A_2 : i32
    %sign3A_4 = arith.extui %sign3A_3 : i1 to i32
    %sign3A_5 = arith.subi %sign3A_1, %sign3A_4 : i32
    %sign3A_6 = arith.constant 0 : i32
    %sign3A_7 = arith.cmpi sgt, %jit3A, %sign3A_6 : i32
    %sign3A_8 = arith.extui %sign3A_7 : i1 to i32
    %sign3A_9 = arith.constant 0 : i32
    %sign3A_10 = arith.cmpi slt, %jit3A, %sign3A_9 : i32
    %sign3A_11 = arith.extui %sign3A_10 : i1 to i32
    %sign3A_12 = arith.subi %sign3A_8, %sign3A_11 : i32
    %ne3A = arith.cmpi ne, %sign3A_5, %sign3A_12 : i32
    %rem3A = arith.remsi %arg1, %jit3A : i32
    %ne3A_13 = arith.constant 0 : i32
    %ne3A_14 = arith.cmpi ne, %rem3A, %ne3A_13 : i32
    %and3A = arith.andi %ne3A, %ne3A_14 : i1
    %sub3A = arith.constant 1 : i32
    %sub3A_15 = arith.subi %div3A, %sub3A : i32
    %select_n3A = arith.select %and3A, %sub3A_15, %div3A : i32
    %mul3A = arith.constant 1024 : i32
    %mul3A_16 = arith.muli %arg1, %mul3A : i32
    %dma_start3A = arith.constant 0 : i32
    %dma_start3A_17 = tpu.memref_slice %arg7[%dma_start3A] : memref<2048xi32, #tpu.memory_space<vmem>> -> memref<1024xi32, #tpu.memory_space<vmem>>
    %dma_start3A_18 = tpu.memref_slice %arg2[%mul3A_16] : memref<16384xi32, #tpu.memory_space<hbm>> -> memref<1024xi32, #tpu.memory_space<hbm>>
    %dma_start3A_19 = arith.constant 0 : i32
    %dma_start3A_20 = tpu.memref_slice %arg7[%dma_start3A_19] : memref<2048xi32, #tpu.memory_space<vmem>> -> memref<1024xi32, #tpu.memory_space<vmem>>
    %dma_start3A_21 = tpu.memref_slice %arg2[%mul3A_16] : memref<16384xi32, #tpu.memory_space<hbm>> -> memref<1024xi32, #tpu.memory_space<hbm>>
    tpu.enqueue_dma source(%dma_start3A_21 : memref<1024xi32, #tpu.memory_space<hbm>>) target(%dma_start3A_20 : memref<1024xi32, #tpu.memory_space<vmem>>) target_semaphore(%arg14 : memref<!tpu.dma_semaphore, #tpu.memory_space<semaphore_mem>>)
    %mul3A_22 = arith.constant 1024 : i32
    %mul3A_23 = arith.muli %arg1, %mul3A_22 : i32
    %dma_start3A_24 = arith.constant 1024 : i32
    %dma_start3A_25 = tpu.memref_slice %arg7[%dma_start3A_24] : memref<2048xi32, #tpu.memory_space<vmem>> -> memref<1024xi32, #tpu.memory_space<vmem>>
    %dma_start3A_26 = tpu.memref_slice %arg3[%mul3A_23] : memref<16384xi32, #tpu.memory_space<hbm>> -> memref<1024xi32, #tpu.memory_space<hbm>>
    %dma_start3A_27 = arith.constant 1024 : i32
    %dma_start3A_28 = tpu.memref_slice %arg7[%dma_start3A_27] : memref<2048xi32, #tpu.memory_space<vmem>> -> memref<1024xi32, #tpu.memory_space<vmem>>
    %dma_start3A_29 = tpu.memref_slice %arg3[%mul3A_23] : memref<16384xi32, #tpu.memory_space<hbm>> -> memref<1024xi32, #tpu.memory_space<hbm>>
    tpu.enqueue_dma source(%dma_start3A_29 : memref<1024xi32, #tpu.memory_space<hbm>>) target(%dma_start3A_28 : memref<1024xi32, #tpu.memory_space<vmem>>) target_semaphore(%arg14 : memref<!tpu.dma_semaphore, #tpu.memory_space<semaphore_mem>>)
    %mul3A_30 = arith.constant 2048 : i32
    %mul3A_31 = arith.muli %select_n3A, %mul3A_30 : i32
    %dma_start3A_32 = arith.constant 0 : i32
    %dma_start3A_33 = tpu.memref_slice %arg8[%dma_start3A_32] : memref<4096xf32, #tpu.memory_space<vmem>> -> memref<2048xf32, #tpu.memory_space<vmem>>
    %dma_start3A_34 = tpu.memref_slice %arg4[%mul3A_31] : memref<16384xf32, #tpu.memory_space<hbm>> -> memref<2048xf32, #tpu.memory_space<hbm>>
    %dma_start3A_35 = arith.constant 0 : i32
    %dma_start3A_36 = tpu.memref_slice %arg8[%dma_start3A_35] : memref<4096xf32, #tpu.memory_space<vmem>> -> memref<2048xf32, #tpu.memory_space<vmem>>
    %dma_start3A_37 = tpu.memref_slice %arg4[%mul3A_31] : memref<16384xf32, #tpu.memory_space<hbm>> -> memref<2048xf32, #tpu.memory_space<hbm>>
    tpu.enqueue_dma source(%dma_start3A_37 : memref<2048xf32, #tpu.memory_space<hbm>>) target(%dma_start3A_36 : memref<2048xf32, #tpu.memory_space<vmem>>) target_semaphore(%arg13 : memref<!tpu.dma_semaphore, #tpu.memory_space<semaphore_mem>>)
    %mul3A_38 = arith.constant 2048 : i32
    %mul3A_39 = arith.muli %select_n3A, %mul3A_38 : i32
    %dma_start3A_40 = arith.constant 2048 : i32
    %dma_start3A_41 = tpu.memref_slice %arg8[%dma_start3A_40] : memref<4096xf32, #tpu.memory_space<vmem>> -> memref<2048xf32, #tpu.memory_space<vmem>>
    %dma_start3A_42 = tpu.memref_slice %arg5[%mul3A_39] : memref<16384xf32, #tpu.memory_space<hbm>> -> memref<2048xf32, #tpu.memory_space<hbm>>
    %dma_start3A_43 = arith.constant 2048 : i32
    %dma_start3A_44 = tpu.memref_slice %arg8[%dma_start3A_43] : memref<4096xf32, #tpu.memory_space<vmem>> -> memref<2048xf32, #tpu.memory_space<vmem>>
    %dma_start3A_45 = tpu.memref_slice %arg5[%mul3A_39] : memref<16384xf32, #tpu.memory_space<hbm>> -> memref<2048xf32, #tpu.memory_space<hbm>>
    tpu.enqueue_dma source(%dma_start3A_45 : memref<2048xf32, #tpu.memory_space<hbm>>) target(%dma_start3A_44 : memref<2048xf32, #tpu.memory_space<vmem>>) target_semaphore(%arg13 : memref<!tpu.dma_semaphore, #tpu.memory_space<semaphore_mem>>)
    %dma_wait3A = arith.constant 0 : i32
    %dma_wait3A_46 = tpu.memref_slice %arg7[%dma_wait3A] : memref<2048xi32, #tpu.memory_space<vmem>> -> memref<1024xi32, #tpu.memory_space<vmem>>
    %dma_wait3A_47 = tpu.memref_slice %arg2[%mul3A_16] : memref<16384xi32, #tpu.memory_space<hbm>> -> memref<1024xi32, #tpu.memory_space<hbm>>
    %dma_wait3A_48 = arith.constant 0 : i32
    %dma_wait3A_49 = tpu.memref_slice %arg7[%dma_wait3A_48] : memref<2048xi32, #tpu.memory_space<vmem>> -> memref<1024xi32, #tpu.memory_space<vmem>>
    %dma_wait3A_50 = tpu.memref_slice %arg2[%mul3A_16] : memref<16384xi32, #tpu.memory_space<hbm>> -> memref<1024xi32, #tpu.memory_space<hbm>>
    tpu.wait_dma2 semaphore(%arg14 : memref<!tpu.dma_semaphore, #tpu.memory_space<semaphore_mem>>) src(%dma_wait3A_50 : memref<1024xi32, #tpu.memory_space<hbm>>) dst(%dma_wait3A_49 : memref<1024xi32, #tpu.memory_space<vmem>>)
    %dma_wait3A_51 = arith.constant 1024 : i32
    %dma_wait3A_52 = tpu.memref_slice %arg7[%dma_wait3A_51] : memref<2048xi32, #tpu.memory_space<vmem>> -> memref<1024xi32, #tpu.memory_space<vmem>>
    %dma_wait3A_53 = tpu.memref_slice %arg3[%mul3A_23] : memref<16384xi32, #tpu.memory_space<hbm>> -> memref<1024xi32, #tpu.memory_space<hbm>>
    %dma_wait3A_54 = arith.constant 1024 : i32
    %dma_wait3A_55 = tpu.memref_slice %arg7[%dma_wait3A_54] : memref<2048xi32, #tpu.memory_space<vmem>> -> memref<1024xi32, #tpu.memory_space<vmem>>
    %dma_wait3A_56 = tpu.memref_slice %arg3[%mul3A_23] : memref<16384xi32, #tpu.memory_space<hbm>> -> memref<1024xi32, #tpu.memory_space<hbm>>
    tpu.wait_dma2 semaphore(%arg14 : memref<!tpu.dma_semaphore, #tpu.memory_space<semaphore_mem>>) src(%dma_wait3A_56 : memref<1024xi32, #tpu.memory_space<hbm>>) dst(%dma_wait3A_55 : memref<1024xi32, #tpu.memory_space<vmem>>)
    %dma_wait3A_57 = arith.constant 0 : i32
    %dma_wait3A_58 = tpu.memref_slice %arg8[%dma_wait3A_57] : memref<4096xf32, #tpu.memory_space<vmem>> -> memref<2048xf32, #tpu.memory_space<vmem>>
    %dma_wait3A_59 = tpu.memref_slice %arg4[%mul3A_31] : memref<16384xf32, #tpu.memory_space<hbm>> -> memref<2048xf32, #tpu.memory_space<hbm>>
    %dma_wait3A_60 = arith.constant 0 : i32
    %dma_wait3A_61 = tpu.memref_slice %arg8[%dma_wait3A_60] : memref<4096xf32, #tpu.memory_space<vmem>> -> memref<2048xf32, #tpu.memory_space<vmem>>
    %dma_wait3A_62 = tpu.memref_slice %arg4[%mul3A_31] : memref<16384xf32, #tpu.memory_space<hbm>> -> memref<2048xf32, #tpu.memory_space<hbm>>
    tpu.wait_dma2 semaphore(%arg13 : memref<!tpu.dma_semaphore, #tpu.memory_space<semaphore_mem>>) src(%dma_wait3A_62 : memref<2048xf32, #tpu.memory_space<hbm>>) dst(%dma_wait3A_61 : memref<2048xf32, #tpu.memory_space<vmem>>)
    %dma_wait3A_63 = arith.constant 2048 : i32
    %dma_wait3A_64 = tpu.memref_slice %arg8[%dma_wait3A_63] : memref<4096xf32, #tpu.memory_space<vmem>> -> memref<2048xf32, #tpu.memory_space<vmem>>
    %dma_wait3A_65 = tpu.memref_slice %arg5[%mul3A_39] : memref<16384xf32, #tpu.memory_space<hbm>> -> memref<2048xf32, #tpu.memory_space<hbm>>
    %dma_wait3A_66 = arith.constant 2048 : i32
    %dma_wait3A_67 = tpu.memref_slice %arg8[%dma_wait3A_66] : memref<4096xf32, #tpu.memory_space<vmem>> -> memref<2048xf32, #tpu.memory_space<vmem>>
    %dma_wait3A_68 = tpu.memref_slice %arg5[%mul3A_39] : memref<16384xf32, #tpu.memory_space<hbm>> -> memref<2048xf32, #tpu.memory_space<hbm>>
    tpu.wait_dma2 semaphore(%arg13 : memref<!tpu.dma_semaphore, #tpu.memory_space<semaphore_mem>>) src(%dma_wait3A_68 : memref<2048xf32, #tpu.memory_space<hbm>>) dst(%dma_wait3A_67 : memref<2048xf32, #tpu.memory_space<vmem>>)
    %broadcast_in_dim3A = arith.constant 0.000000e+00 : f32
    %broadcast_in_dim3A_69 = vector.broadcast %broadcast_in_dim3A : f32 to vector<16xf32>
    %scan3A = arith.constant 0 : i32
    %scan3A_70 = arith.constant 64 : i32
    %scan3A_71 = arith.addi %scan3A, %scan3A_70 : i32
    %scan3A_72 = arith.constant 1 : i32
    %scan3A_73:2 = scf.for %scan3A_94 = %scan3A to %scan3A_71 step %scan3A_72 iter_args(%scan3A_95 = %broadcast_in_dim3A_69, %scan3A_96 = %broadcast_in_dim3A_69) -> (vector<16xf32>, vector<16xf32>)  : i32 {
      %mul3A_97 = arith.constant 16 : i32
      %mul3A_98 = arith.muli %scan3A_94, %mul3A_97 : i32
      %add3A = arith.constant 0 : i32
      %add3A_99 = arith.addi %add3A, %mul3A_98 : i32
      %get3A = arith.index_cast %add3A_99 : i32 to index
      %get3A_100 = tpu.vector_load %arg7[%get3A] {strides = array<i32>} : memref<2048xi32, #tpu.memory_space<vmem>>, vector<16xi32>,
      %shift_right_logical3A = arith.constant 16 : i32
      %shift_right_logical3A_101 = vector.broadcast %shift_right_logical3A : i32 to vector<16xi32>
      %shift_right_logical3A_102 = arith.shrui %get3A_100, %shift_right_logical3A_101 : vector<16xi32>
      %mul3A_103 = arith.constant 512 : i32
      %mul3A_104 = vector.broadcast %mul3A_103 : i32 to vector<16xi32>
      %mul3A_105 = arith.muli %shift_right_logical3A_102, %mul3A_104 : vector<16xi32>
      %add3A_106 = arith.constant 256 : i32
      %add3A_107 = vector.broadcast %add3A_106 : i32 to vector<16xi32>
      %add3A_108 = arith.addi %mul3A_105, %add3A_107 : vector<16xi32>
      %shift_right_logical3A_109 = arith.constant 9 : i32
      %shift_right_logical3A_110 = vector.broadcast %shift_right_logical3A_109 : i32 to vector<16xi32>
      %shift_right_logical3A_111 = arith.shrui %get3A_100, %shift_right_logical3A_110 : vector<16xi32>
      %and3A_112 = arith.constant 127 : i32
      %and3A_113 = vector.broadcast %and3A_112 : i32 to vector<16xi32>
      %and3A_114 = arith.andi %shift_right_logical3A_111, %and3A_113 : vector<16xi32>
      %add3A_115 = arith.addi %add3A_108, %and3A_114 : vector<16xi32>
      %shift_right_logical3A_116 = arith.constant 7 : i32
      %shift_right_logical3A_117 = vector.broadcast %shift_right_logical3A_116 : i32 to vector<16xi32>
      %shift_right_logical3A_118 = arith.shrui %get3A_100, %shift_right_logical3A_117 : vector<16xi32>
      %and3A_119 = arith.constant 3 : i32
      %and3A_120 = vector.broadcast %and3A_119 : i32 to vector<16xi32>
      %and3A_121 = arith.andi %shift_right_logical3A_118, %and3A_120 : vector<16xi32>
      %mul3A_122 = arith.constant 512 : i32
      %mul3A_123 = vector.broadcast %mul3A_122 : i32 to vector<16xi32>
      %mul3A_124 = arith.muli %and3A_121, %mul3A_123 : vector<16xi32>
      %add3A_125 = arith.constant 256 : i32
      %add3A_126 = vector.broadcast %add3A_125 : i32 to vector<16xi32>
      %add3A_127 = arith.addi %mul3A_124, %add3A_126 : vector<16xi32>
      %and3A_128 = arith.constant 127 : i32
      %and3A_129 = vector.broadcast %and3A_128 : i32 to vector<16xi32>
      %and3A_130 = arith.andi %get3A_100, %and3A_129 : vector<16xi32>
      %add3A_131 = arith.addi %add3A_127, %and3A_130 : vector<16xi32>
      %gather3A = tpu.vector_load_idx %arg8[%add3A_115] : memref<4096xf32, #tpu.memory_space<vmem>>[vector<16xi32>], vector<16xf32>,
      %gather3A_132 = tpu.vector_load_idx %arg8[%add3A_131] : memref<4096xf32, #tpu.memory_space<vmem>>[vector<16xi32>], vector<16xf32>,
      %add3A_133 = arith.constant 2048 : i32
      %add3A_134 = vector.broadcast %add3A_133 : i32 to vector<16xi32>
      %add3A_135 = arith.addi %add3A_115, %add3A_134 : vector<16xi32>
      %gather3A_136 = tpu.vector_load_idx %arg8[%add3A_135] : memref<4096xf32, #tpu.memory_space<vmem>>[vector<16xi32>], vector<16xf32>,
      %add3A_137 = arith.constant 2048 : i32
      %add3A_138 = vector.broadcast %add3A_137 : i32 to vector<16xi32>
      %add3A_139 = arith.addi %add3A_131, %add3A_138 : vector<16xi32>
      %gather3A_140 = tpu.vector_load_idx %arg8[%add3A_139] : memref<4096xf32, #tpu.memory_space<vmem>>[vector<16xi32>], vector<16xf32>,
      %sub3A_141 = arith.subf %gather3A_132, %gather3A : vector<16xf32>
      %sub3A_142 = arith.subf %gather3A_140, %gather3A_136 : vector<16xf32>
      %sign3A_143 = tpu.bitcast %sub3A_142 : vector<16xf32> -> vector<16xi32>
      %sign3A_144 = arith.constant -2147483648 : i32
      %sign3A_145 = vector.broadcast %sign3A_144 : i32 to vector<16xi32>
      %sign3A_146 = arith.andi %sign3A_143, %sign3A_145 : vector<16xi32>
      %sign3A_147 = arith.constant 1065353216 : i32
      %sign3A_148 = vector.broadcast %sign3A_147 : i32 to vector<16xi32>
      %sign3A_149 = arith.ori %sign3A_148, %sign3A_146 : vector<16xi32>
      %sign3A_150 = tpu.bitcast %sign3A_149 : vector<16xi32> -> vector<16xf32>
      %sign3A_151 = math.absf %sub3A_142 : vector<16xf32>
      %sign3A_152 = arith.constant 0.000000e+00 : f32
      %sign3A_153 = vector.broadcast %sign3A_152 : f32 to vector<16xf32>
      %sign3A_154 = arith.cmpf ogt, %sign3A_151, %sign3A_153 : vector<16xf32>
      %sign3A_155 = arith.select %sign3A_154, %sign3A_150, %sub3A_142 : vector<16xi1>, vector<16xf32>
      %mul3A_156 = arith.mulf %sub3A_141, %sign3A_155 : vector<16xf32>
      %ne3A_157 = arith.constant 0 : i32
      %ne3A_158 = vector.broadcast %ne3A_157 : i32 to vector<16xi32>
      %ne3A_159 = arith.cmpi ne, %get3A_100, %ne3A_158 : vector<16xi32>
      %convert_element_type3A_160 = arith.extui %ne3A_159 : vector<16xi1> to vector<16xi32>
      %convert_element_type3A_161 = arith.sitofp %convert_element_type3A_160 : vector<16xi32> to vector<16xf32>
      %sub3A_162 = arith.constant 1.000000e+00 : f32
      %sub3A_163 = vector.broadcast %sub3A_162 : f32 to vector<16xf32>
      %sub3A_164 = arith.subf %sub3A_163, %mul3A_156 : vector<16xf32>
      %mul3A_165 = arith.mulf %sub3A_164, %convert_element_type3A_161 : vector<16xf32>
      %max3A = arith.constant 0.000000e+00 : f32
      %max3A_166 = vector.broadcast %max3A : f32 to vector<16xf32>
      %max3A_167 = arith.maximumf %max3A_166, %mul3A_165 : vector<16xf32>
      %add3A_168 = arith.addf %scan3A_95, %max3A_167 : vector<16xf32>
      %add3A_169 = arith.addf %scan3A_96, %convert_element_type3A_161 : vector<16xf32>
      scf.yield %add3A_168, %add3A_169 : vector<16xf32>, vector<16xf32>
    }
    %scan3A_74 = arith.constant 64 : i32
    %scan3A_75 = arith.constant 0 : i32
    %scan3A_76 = arith.constant 64 : i32
    %scan3A_77 = arith.addi %scan3A_75, %scan3A_76 : i32
    %scan3A_78 = arith.constant 1 : i32
    %scan3A_79:2 = scf.for %scan3A_94 = %scan3A_75 to %scan3A_77 step %scan3A_78 iter_args(%scan3A_95 = %broadcast_in_dim3A_69, %scan3A_96 = %broadcast_in_dim3A_69) -> (vector<16xf32>, vector<16xf32>)  : i32 {
      %mul3A_97 = arith.constant 16 : i32
      %mul3A_98 = arith.muli %scan3A_94, %mul3A_97 : i32
      %add3A = arith.constant 1024 : i32
      %add3A_99 = arith.addi %add3A, %mul3A_98 : i32
      %get3A = arith.index_cast %add3A_99 : i32 to index
      %get3A_100 = tpu.vector_load %arg7[%get3A] {strides = array<i32>} : memref<2048xi32, #tpu.memory_space<vmem>>, vector<16xi32>,
      %shift_right_logical3A = arith.constant 16 : i32
      %shift_right_logical3A_101 = vector.broadcast %shift_right_logical3A : i32 to vector<16xi32>
      %shift_right_logical3A_102 = arith.shrui %get3A_100, %shift_right_logical3A_101 : vector<16xi32>
      %mul3A_103 = arith.constant 512 : i32
      %mul3A_104 = vector.broadcast %mul3A_103 : i32 to vector<16xi32>
      %mul3A_105 = arith.muli %shift_right_logical3A_102, %mul3A_104 : vector<16xi32>
      %add3A_106 = arith.constant 0 : i32
      %add3A_107 = vector.broadcast %add3A_106 : i32 to vector<16xi32>
      %add3A_108 = arith.addi %mul3A_105, %add3A_107 : vector<16xi32>
      %shift_right_logical3A_109 = arith.constant 9 : i32
      %shift_right_logical3A_110 = vector.broadcast %shift_right_logical3A_109 : i32 to vector<16xi32>
      %shift_right_logical3A_111 = arith.shrui %get3A_100, %shift_right_logical3A_110 : vector<16xi32>
      %and3A_112 = arith.constant 127 : i32
      %and3A_113 = vector.broadcast %and3A_112 : i32 to vector<16xi32>
      %and3A_114 = arith.andi %shift_right_logical3A_111, %and3A_113 : vector<16xi32>
      %add3A_115 = arith.addi %add3A_108, %and3A_114 : vector<16xi32>
      %shift_right_logical3A_116 = arith.constant 7 : i32
      %shift_right_logical3A_117 = vector.broadcast %shift_right_logical3A_116 : i32 to vector<16xi32>
      %shift_right_logical3A_118 = arith.shrui %get3A_100, %shift_right_logical3A_117 : vector<16xi32>
      %and3A_119 = arith.constant 3 : i32
      %and3A_120 = vector.broadcast %and3A_119 : i32 to vector<16xi32>
      %and3A_121 = arith.andi %shift_right_logical3A_118, %and3A_120 : vector<16xi32>
      %mul3A_122 = arith.constant 512 : i32
      %mul3A_123 = vector.broadcast %mul3A_122 : i32 to vector<16xi32>
      %mul3A_124 = arith.muli %and3A_121, %mul3A_123 : vector<16xi32>
      %add3A_125 = arith.constant 0 : i32
      %add3A_126 = vector.broadcast %add3A_125 : i32 to vector<16xi32>
      %add3A_127 = arith.addi %mul3A_124, %add3A_126 : vector<16xi32>
      %and3A_128 = arith.constant 127 : i32
      %and3A_129 = vector.broadcast %and3A_128 : i32 to vector<16xi32>
      %and3A_130 = arith.andi %get3A_100, %and3A_129 : vector<16xi32>
      %add3A_131 = arith.addi %add3A_127, %and3A_130 : vector<16xi32>
      %gather3A = tpu.vector_load_idx %arg8[%add3A_115] : memref<4096xf32, #tpu.memory_space<vmem>>[vector<16xi32>], vector<16xf32>,
      %gather3A_132 = tpu.vector_load_idx %arg8[%add3A_131] : memref<4096xf32, #tpu.memory_space<vmem>>[vector<16xi32>], vector<16xf32>,
      %add3A_133 = arith.constant 2048 : i32
      %add3A_134 = vector.broadcast %add3A_133 : i32 to vector<16xi32>
      %add3A_135 = arith.addi %add3A_115, %add3A_134 : vector<16xi32>
      %gather3A_136 = tpu.vector_load_idx %arg8[%add3A_135] : memref<4096xf32, #tpu.memory_space<vmem>>[vector<16xi32>], vector<16xf32>,
      %add3A_137 = arith.constant 2048 : i32
      %add3A_138 = vector.broadcast %add3A_137 : i32 to vector<16xi32>
      %add3A_139 = arith.addi %add3A_131, %add3A_138 : vector<16xi32>
      %gather3A_140 = tpu.vector_load_idx %arg8[%add3A_139] : memref<4096xf32, #tpu.memory_space<vmem>>[vector<16xi32>], vector<16xf32>,
      %sub3A_141 = arith.subf %gather3A_132, %gather3A : vector<16xf32>
      %sub3A_142 = arith.subf %gather3A_140, %gather3A_136 : vector<16xf32>
      %sign3A_143 = tpu.bitcast %sub3A_142 : vector<16xf32> -> vector<16xi32>
      %sign3A_144 = arith.constant -2147483648 : i32
      %sign3A_145 = vector.broadcast %sign3A_144 : i32 to vector<16xi32>
      %sign3A_146 = arith.andi %sign3A_143, %sign3A_145 : vector<16xi32>
      %sign3A_147 = arith.constant 1065353216 : i32
      %sign3A_148 = vector.broadcast %sign3A_147 : i32 to vector<16xi32>
      %sign3A_149 = arith.ori %sign3A_148, %sign3A_146 : vector<16xi32>
      %sign3A_150 = tpu.bitcast %sign3A_149 : vector<16xi32> -> vector<16xf32>
      %sign3A_151 = math.absf %sub3A_142 : vector<16xf32>
      %sign3A_152 = arith.constant 0.000000e+00 : f32
      %sign3A_153 = vector.broadcast %sign3A_152 : f32 to vector<16xf32>
      %sign3A_154 = arith.cmpf ogt, %sign3A_151, %sign3A_153 : vector<16xf32>
      %sign3A_155 = arith.select %sign3A_154, %sign3A_150, %sub3A_142 : vector<16xi1>, vector<16xf32>
      %mul3A_156 = arith.mulf %sub3A_141, %sign3A_155 : vector<16xf32>
      %ne3A_157 = arith.constant 0 : i32
      %ne3A_158 = vector.broadcast %ne3A_157 : i32 to vector<16xi32>
      %ne3A_159 = arith.cmpi ne, %get3A_100, %ne3A_158 : vector<16xi32>
      %convert_element_type3A_160 = arith.extui %ne3A_159 : vector<16xi1> to vector<16xi32>
      %convert_element_type3A_161 = arith.sitofp %convert_element_type3A_160 : vector<16xi32> to vector<16xf32>
      %sub3A_162 = arith.constant 1.000000e+00 : f32
      %sub3A_163 = vector.broadcast %sub3A_162 : f32 to vector<16xf32>
      %sub3A_164 = arith.subf %sub3A_163, %mul3A_156 : vector<16xf32>
      %mul3A_165 = arith.mulf %sub3A_164, %convert_element_type3A_161 : vector<16xf32>
      %max3A = arith.constant 0.000000e+00 : f32
      %max3A_166 = vector.broadcast %max3A : f32 to vector<16xf32>
      %max3A_167 = arith.maximumf %max3A_166, %mul3A_165 : vector<16xf32>
      %add3A_168 = arith.addf %scan3A_95, %max3A_167 : vector<16xf32>
      %add3A_169 = arith.addf %scan3A_96, %convert_element_type3A_161 : vector<16xf32>
      scf.yield %add3A_168, %add3A_169 : vector<16xf32>, vector<16xf32>
    }
    %scan3A_80 = arith.constant 64 : i32
    %swap3A = arith.constant 0 : index
    %swap3A_81 = tpu.vector_load %arg9[%swap3A] {strides = array<i32>} : memref<64xf32, #tpu.memory_space<vmem>>, vector<16xf32>,
    tpu.vector_store %arg9[%swap3A], %scan3A_73#0 {strides = array<i32>} : memref<64xf32, #tpu.memory_space<vmem>>, vector<16xf32>,
    %swap3A_82 = arith.constant 16 : index
    %swap3A_83 = tpu.vector_load %arg9[%swap3A_82] {strides = array<i32>} : memref<64xf32, #tpu.memory_space<vmem>>, vector<16xf32>,
    tpu.vector_store %arg9[%swap3A_82], %scan3A_73#1 {strides = array<i32>} : memref<64xf32, #tpu.memory_space<vmem>>, vector<16xf32>,
    %swap3A_84 = arith.constant 32 : index
    %swap3A_85 = tpu.vector_load %arg9[%swap3A_84] {strides = array<i32>} : memref<64xf32, #tpu.memory_space<vmem>>, vector<16xf32>,
    tpu.vector_store %arg9[%swap3A_84], %scan3A_79#0 {strides = array<i32>} : memref<64xf32, #tpu.memory_space<vmem>>, vector<16xf32>,
    %swap3A_86 = arith.constant 48 : index
    %swap3A_87 = tpu.vector_load %arg9[%swap3A_86] {strides = array<i32>} : memref<64xf32, #tpu.memory_space<vmem>>, vector<16xf32>,
    tpu.vector_store %arg9[%swap3A_86], %scan3A_79#1 {strides = array<i32>} : memref<64xf32, #tpu.memory_space<vmem>>, vector<16xf32>,
    %mul3A_88 = arith.constant 4 : i32
    %mul3A_89 = arith.muli %arg1, %mul3A_88 : i32
    %mul3A_90 = arith.constant 16 : i32
    %mul3A_91 = arith.muli %mul3A_89, %mul3A_90 : i32
    "tpu.region"() ({
      %run_scoped3A = tpu.sem_alloc : memref<!tpu.dma_semaphore, #tpu.memory_space<semaphore_mem>>
      %dma_start3A_94 = tpu.memref_slice %arg12[%mul3A_91] : memref<1024xf32, #tpu.memory_space<vmem_shared>> -> memref<64xf32, #tpu.memory_space<vmem_shared>>
      %dma_start3A_95 = tpu.memref_slice %arg12[%mul3A_91] : memref<1024xf32, #tpu.memory_space<vmem_shared>> -> memref<64xf32, #tpu.memory_space<vmem_shared>>
      tpu.enqueue_dma source(%arg9 : memref<64xf32, #tpu.memory_space<vmem>>) target(%dma_start3A_95 : memref<64xf32, #tpu.memory_space<vmem_shared>>) target_semaphore(%run_scoped3A : memref<!tpu.dma_semaphore, #tpu.memory_space<semaphore_mem>>)
      %dma_wait3A_96 = tpu.memref_slice %arg12[%mul3A_91] : memref<1024xf32, #tpu.memory_space<vmem_shared>> -> memref<64xf32, #tpu.memory_space<vmem_shared>>
      %dma_wait3A_97 = tpu.memref_slice %arg12[%mul3A_91] : memref<1024xf32, #tpu.memory_space<vmem_shared>> -> memref<64xf32, #tpu.memory_space<vmem_shared>>
      tpu.wait_dma2 semaphore(%run_scoped3A : memref<!tpu.dma_semaphore, #tpu.memory_space<semaphore_mem>>) src(%arg9 : memref<64xf32, #tpu.memory_space<vmem>>) dst(%dma_wait3A_97 : memref<64xf32, #tpu.memory_space<vmem_shared>>)
      tpu.yield
    }) : () -> ()
    %barrier3A = arith.constant 0 : index
    tpu.barrier barrier_id(%barrier3A)
    %eq3A = arith.constant 0 : i32
    %eq3A_92 = arith.cmpi eq, %arg1, %eq3A : i32
    %convert_element_type3A = arith.extui %eq3A_92 : i1 to i32
    %cond3A = arith.constant 0 : i32
    %cond3A_93 = arith.cmpi ne, %convert_element_type3A, %cond3A : i32
    scf.if %cond3A_93 {
      "tpu.region"() ({
        %run_scoped3A = tpu.sem_alloc : memref<!tpu.dma_semaphore, #tpu.memory_space<semaphore_mem>>
        tpu.enqueue_dma source(%arg12 : memref<1024xf32, #tpu.memory_space<vmem_shared>>) target(%arg10 : memref<1024xf32, #tpu.memory_space<vmem>>) target_semaphore(%run_scoped3A : memref<!tpu.dma_semaphore, #tpu.memory_space<semaphore_mem>>)
        tpu.wait_dma2 semaphore(%run_scoped3A : memref<!tpu.dma_semaphore, #tpu.memory_space<semaphore_mem>>) src(%arg12 : memref<1024xf32, #tpu.memory_space<vmem_shared>>) dst(%arg10 : memref<1024xf32, #tpu.memory_space<vmem>>)
        tpu.yield
      }) : () -> ()
      %scan3A_94 = arith.constant 0 : i32
      %scan3A_95 = arith.constant 16 : i32
      %scan3A_96 = arith.addi %scan3A_94, %scan3A_95 : i32
      %scan3A_97 = arith.constant 1 : i32
      %scan3A_98:4 = scf.for %scan3A_129 = %scan3A_94 to %scan3A_96 step %scan3A_97 iter_args(%scan3A_130 = %broadcast_in_dim3A_69, %scan3A_131 = %broadcast_in_dim3A_69, %scan3A_132 = %broadcast_in_dim3A_69, %scan3A_133 = %broadcast_in_dim3A_69) -> (vector<16xf32>, vector<16xf32>, vector<16xf32>, vector<16xf32>)  : i32 {
        %mul3A_134 = arith.constant 4 : i32
        %mul3A_135 = arith.muli %scan3A_129, %mul3A_134 : i32
        %mul3A_136 = arith.constant 16 : i32
        %mul3A_137 = arith.muli %mul3A_135, %mul3A_136 : i32
        %get3A = arith.index_cast %mul3A_137 : i32 to index
        %get3A_138 = tpu.vector_load %arg10[%get3A] {strides = array<i32>} : memref<1024xf32, #tpu.memory_space<vmem>>, vector<16xf32>,
        %add3A_139 = arith.addf %scan3A_130, %get3A_138 : vector<16xf32>
        %mul3A_140 = arith.constant 4 : i32
        %mul3A_141 = arith.muli %scan3A_129, %mul3A_140 : i32
        %mul3A_142 = arith.constant 16 : i32
        %mul3A_143 = arith.muli %mul3A_141, %mul3A_142 : i32
        %add3A_144 = arith.constant 16 : i32
        %add3A_145 = arith.addi %mul3A_143, %add3A_144 : i32
        %get3A_146 = arith.index_cast %add3A_145 : i32 to index
        %get3A_147 = tpu.vector_load %arg10[%get3A_146] {strides = array<i32>} : memref<1024xf32, #tpu.memory_space<vmem>>, vector<16xf32>,
        %add3A_148 = arith.addf %scan3A_131, %get3A_147 : vector<16xf32>
        %mul3A_149 = arith.constant 4 : i32
        %mul3A_150 = arith.muli %scan3A_129, %mul3A_149 : i32
        %mul3A_151 = arith.constant 16 : i32
        %mul3A_152 = arith.muli %mul3A_150, %mul3A_151 : i32
        %add3A_153 = arith.constant 32 : i32
        %add3A_154 = arith.addi %mul3A_152, %add3A_153 : i32
        %get3A_155 = arith.index_cast %add3A_154 : i32 to index
        %get3A_156 = tpu.vector_load %arg10[%get3A_155] {strides = array<i32>} : memref<1024xf32, #tpu.memory_space<vmem>>, vector<16xf32>,
        %add3A_157 = arith.addf %scan3A_132, %get3A_156 : vector<16xf32>
        %mul3A_158 = arith.constant 4 : i32
        %mul3A_159 = arith.muli %scan3A_129, %mul3A_158 : i32
        %mul3A_160 = arith.constant 16 : i32
        %mul3A_161 = arith.muli %mul3A_159, %mul3A_160 : i32
        %add3A_162 = arith.constant 48 : i32
        %add3A_163 = arith.addi %mul3A_161, %add3A_162 : i32
        %get3A_164 = arith.index_cast %add3A_163 : i32 to index
        %get3A_165 = tpu.vector_load %arg10[%get3A_164] {strides = array<i32>} : memref<1024xf32, #tpu.memory_space<vmem>>, vector<16xf32>,
        %add3A_166 = arith.addf %scan3A_133, %get3A_165 : vector<16xf32>
        scf.yield %add3A_139, %add3A_148, %add3A_157, %add3A_166 : vector<16xf32>, vector<16xf32>, vector<16xf32>, vector<16xf32>
      }
      %scan3A_99 = arith.constant 16 : i32
      %reduce_sum3A = arith.constant true
      %reduce_sum3A_100 = vector.broadcast %reduce_sum3A : i1 to vector<16xi1>
      %reduce_sum3A_101 = tpu.scan <sum>, %scan3A_98#0 masked %reduce_sum3A_100 : vector<16xf32>, vector<16xi1> -> vector<16xf32>
      %reduce_sum3A_102 = vector.extract %reduce_sum3A_101[15] : f32 from vector<16xf32>
      %broadcast_in_dim3A_103 = vector.broadcast %reduce_sum3A_102 : f32 to vector<16xf32>
      %reduce_sum3A_104 = arith.constant true
      %reduce_sum3A_105 = vector.broadcast %reduce_sum3A_104 : i1 to vector<16xi1>
      %reduce_sum3A_106 = tpu.scan <sum>, %scan3A_98#1 masked %reduce_sum3A_105 : vector<16xf32>, vector<16xi1> -> vector<16xf32>
      %reduce_sum3A_107 = vector.extract %reduce_sum3A_106[15] : f32 from vector<16xf32>
      %broadcast_in_dim3A_108 = vector.broadcast %reduce_sum3A_107 : f32 to vector<16xf32>
      %reduce_sum3A_109 = arith.constant true
      %reduce_sum3A_110 = vector.broadcast %reduce_sum3A_109 : i1 to vector<16xi1>
      %reduce_sum3A_111 = tpu.scan <sum>, %scan3A_98#2 masked %reduce_sum3A_110 : vector<16xf32>, vector<16xi1> -> vector<16xf32>
      %reduce_sum3A_112 = vector.extract %reduce_sum3A_111[15] : f32 from vector<16xf32>
      %broadcast_in_dim3A_113 = vector.broadcast %reduce_sum3A_112 : f32 to vector<16xf32>
      %reduce_sum3A_114 = arith.constant true
      %reduce_sum3A_115 = vector.broadcast %reduce_sum3A_114 : i1 to vector<16xi1>
      %reduce_sum3A_116 = tpu.scan <sum>, %scan3A_98#3 masked %reduce_sum3A_115 : vector<16xf32>, vector<16xi1> -> vector<16xf32>
      %reduce_sum3A_117 = vector.extract %reduce_sum3A_116[15] : f32 from vector<16xf32>
      %broadcast_in_dim3A_118 = vector.broadcast %reduce_sum3A_117 : f32 to vector<16xf32>
      %add3A = arith.constant 9.99999974E-6 : f32
      %add3A_119 = vector.broadcast %add3A : f32 to vector<16xf32>
      %add3A_120 = arith.addf %broadcast_in_dim3A_108, %add3A_119 : vector<16xf32>
      %div3A_121 = arith.divf %broadcast_in_dim3A_103, %add3A_120 : vector<16xf32>
      %add3A_122 = arith.constant 9.99999974E-6 : f32
      %add3A_123 = vector.broadcast %add3A_122 : f32 to vector<16xf32>
      %add3A_124 = arith.addf %broadcast_in_dim3A_118, %add3A_123 : vector<16xf32>
      %div3A_125 = arith.divf %broadcast_in_dim3A_113, %add3A_124 : vector<16xf32>
      %add3A_126 = arith.addf %div3A_121, %div3A_125 : vector<16xf32>
      %swap3A_127 = arith.constant 0 : index
      %swap3A_128 = tpu.vector_load %arg11[%swap3A_127] {strides = array<i32>} : memref<16xf32, #tpu.memory_space<vmem>>, vector<16xf32>,
      tpu.vector_store %arg11[%swap3A_127], %add3A_126 {strides = array<i32>} : memref<16xf32, #tpu.memory_space<vmem>>, vector<16xf32>,
      "tpu.region"() ({
        %run_scoped3A = tpu.sem_alloc : memref<!tpu.dma_semaphore, #tpu.memory_space<semaphore_mem>>
        tpu.enqueue_dma source(%arg11 : memref<16xf32, #tpu.memory_space<vmem>>) target(%arg6 : memref<16xf32, #tpu.memory_space<hbm>>) target_semaphore(%run_scoped3A : memref<!tpu.dma_semaphore, #tpu.memory_space<semaphore_mem>>)
        tpu.wait_dma2 semaphore(%run_scoped3A : memref<!tpu.dma_semaphore, #tpu.memory_space<semaphore_mem>>) src(%arg11 : memref<16xf32, #tpu.memory_space<vmem>>) dst(%arg6 : memref<16xf32, #tpu.memory_space<hbm>>)
        tpu.yield
      }) : () -> ()
    } else {
    }
    return
  }
}

</mosaic_0001>

<sc_bundles>
// kernel: kernel.3.cloned.1.call-start
scs
__scs_entry_jumppad:
0x0: {  	(pc) =	sbr.rel $0x88, $3  }
0x1: {  	(tag) =	ssettag $0x0;
	lr =	simm.s32 $0x1  }
0x2: {  	[smem:$0x3F9D] =	sst lr;
	_ =	strace $0xD0000000  }
0x3: {  	_ = 	snop  }
0x4: {  	_ = 	snop  }
0x5: {  	_ = 	snop  }
0x6: {  	_ = 	snop  }
0x7: {  	_ = 	snop  }
__scs_overlays_trampoline_lowered:
0x8: {  	[smem:$0x3FAC] =	sst s0  }
0x9: {  	[smem:$0x3FAD] =	sst s1  }
0xa: {  	[smem:$0x3FAE] =	sst s2  }
0xb: {  	[smem:$0x3FAF] =	sst s3  }
0xc: {  	[smem:$0x3FB0] =	sst s4  }
0xd: {  	[smem:$0x3FB1] =	sst s5  }
0xe: {  	[smem:$0x3FB2] =	sst s6  }
0xf: {  	[smem:$0x3FB3] =	sst s7  }
0x10: {  	[smem:$0x3FB4] =	sst s8  }
0x11: {  	[smem:$0x3FB5] =	sst s9;
	s0 =	simm.s32 @!p0 $0x0  }
0x12: {  	s1 =	sld [smem:$0x3F9B];
	s0 =	simm.s32 @p0 $0x1  }
0x13: {  	[smem:$0x3FB6] =	sst s0;
	s0 =	simm.s32 @!p1 $0x0  }
0x14: {  	s2 =	sld [smem:$0x3F9A];
	s0 =	simm.s32 @p1 $0x1  }
0x15: {  	[smem:$0x3FB7] =	sst s0;
	s0 =	simm.s32 @!p2 $0x0  }
0x16: {  	s3 =	sld [smem:$0x3FDB];
	s0 =	simm.s32 @p2 $0x1  }
0x17: {  	s4 =	simm.s32 $0x1BF5;
	[smem:$0x3FB9] =	sst s0  }
0x18: {  	s0 =	sld [smem:$0x3F9C];
	_ =	swait.ge [sflag:s4], $0x0  }
0x19: {  	s7 =	sld [smem:$0x3F9D]  }
0x1a: {  	s8 =	sadd.s32 $0xFFFFE003, lr  }
0x1b: {  	s9 =	sadd.s32 $0xFFFFFEF7, lr;
	s5 =	simm.s32 $0xFFFFFFFF;
	p2 =	slt.u32 s8, $0xFFFFF086  }
0x1c: {  	p1 =	slt.u32 s9, $0xF7A;
	s5 =	simm.s32 @!p2 $0x0  }
0x1d: {  	s5 =	simm.s32 @p1 $0x1;
	p0 =	seq.s32 s7, s2  }
0x1e: {  	s7 =	smul.u32 @!p0 $0xF7A, s2;
	p2 =	seq.s32 @!p0 s5, $0x0  }
0x1f: {  	s9 =	smul.u32 $0xF7A, s1;
	s8 =	simm.s32 @!p0 $0x1BF5;
	p2 =	por !p2, p0  }
0x20: {  	[sflag:s8] =	ssyncset.s32 @!p0 $0xFFFFF086;
	s6 =	sadd.s32 @!p0 s3, s7;
	s7 =	simm.s32 @!p0 $0x108  }
0x21: {  	s3 =	sadd.s32 s3, s9;
	s6 =	sadd.s32 @!p0 $0x88, s6;
	s7 =	simm.s32 @p2 $0x1082  }
0x22: {  	[simem:s7], [sflag:s8] =	dma.local @!p0 [hbm:s6], $0xF7A  }
0x23: {  	s9 =	sor.u32 $0xD0000000, s2;
	s6 =	simm.s32 $0x108;
	_ =	swait.ge @!p0 [sflag:s8], $0x0  }
0x24: {  	s3 =	sadd.s32 $0x88, s3;
	s6 =	simm.s32 @!p1 $0x1082;
	[sflag:s4] =	ssyncset.s32 $0xFFFFF086  }
0x25: {  	[simem:s6], [sflag:s4] =	dma.local [hbm:s3], $0xF7A  }
0x26: {  	[smem:$0x3F9D] =	sst s1;
	(tag) =	ssettag s2;
	_ =	strace s9  }
0x27: {  	s1 =	sld [smem:$0x3FAD]  }
0x28: {  	s2 =	sld [smem:$0x3FAE]  }
0x29: {  	s4 =	sld [smem:$0x3FB0]  }
0x2a: {  	p0 =	seq.s32 s5, $0x0;
	s5 =	sld [smem:$0x3FB1]  }
0x2b: {  	s6 =	sld [smem:$0x3FB2]  }
0x2c: {  	s7 =	sld [smem:$0x3FB3]  }
0x2d: {  	s3 =	simm.s32 $0x108;
	s8 =	sld [smem:$0x3FB4]  }
0x2e: {  	s3 =	simm.s32 @!p0 $0x1082;
	s9 =	sld [smem:$0x3FB5]  }
0x2f: {  	lr =	sadd.s32 s0, s3;
	s0 =	sld [smem:$0x3FAC]  }
0x30: {  	s3 =	sld [smem:$0x3FAF]  }
0x31: {  	[smem:$0x3FB8] =	sst s10  }
0x32: {  	s10 =	sld [smem:$0x3FB6];
	_ =	sdelay $0x3  }
0x33: {  	p0 =	seq.s32 s10, $0x1;
	s10 =	sld [smem:$0x3FB8];
	_ =	sdelay $0x3  }
0x34: {  	[smem:$0x3FB8] =	sst s10  }
0x35: {  	s10 =	sld [smem:$0x3FB7];
	_ =	sdelay $0x3  }
0x36: {  	p1 =	seq.s32 s10, $0x1;
	s10 =	sld [smem:$0x3FB8];
	_ =	sdelay $0x3  }
0x37: {  	[smem:$0x3FB8] =	sst s10  }
0x38: {  	s10 =	sld [smem:$0x3FB9]  }
0x39: {  	_ = 	snop;
	(pc) =	sbr.ind lr, $3  }
0x3a: {  	_ = 	snop  }
0x3b: {  	_ = 	snop  }
0x3c: {  	p2 =	seq.s32 s10, $0x1;
	s10 =	sld [smem:$0x3FB8]  }
0x3d: {  	_ =	shalt  }
0x3e: {  	_ =	shalt  }
0x3f: {  	_ =	shalt  }
0x40: {  	_ =	shalt  }
0x41: {  	_ =	shalt  }
0x42: {  	_ =	shalt  }
0x43: {  	_ =	shalt  }
0x44: {  	_ =	shalt  }
0x45: {  	_ =	shalt  }
0x46: {  	_ =	shalt  }
0x47: {  	_ =	shalt  }
0x48: {  	_ =	shalt  }
0x49: {  	_ =	shalt  }
0x4a: {  	_ =	shalt  }
0x4b: {  	_ =	shalt  }
0x4c: {  	_ =	shalt  }
0x4d: {  	_ =	shalt  }
0x4e: {  	_ =	shalt  }
0x4f: {  	_ =	shalt  }
0x50: {  	_ =	shalt  }
0x51: {  	_ =	shalt  }
0x52: {  	_ =	shalt  }
0x53: {  	_ =	shalt  }
0x54: {  	_ =	shalt  }
0x55: {  	_ =	shalt  }
0x56: {  	_ =	shalt  }
0x57: {  	_ =	shalt  }
0x58: {  	_ =	shalt  }
0x59: {  	_ =	shalt  }
0x5a: {  	_ =	shalt  }
0x5b: {  	_ =	shalt  }
0x5c: {  	_ =	shalt  }
0x5d: {  	_ =	shalt  }
0x5e: {  	_ =	shalt  }
0x5f: {  	_ =	shalt  }
0x60: {  	_ =	shalt  }
0x61: {  	_ =	shalt  }
0x62: {  	_ =	shalt  }
0x63: {  	_ =	shalt  }
0x64: {  	_ =	shalt  }
0x65: {  	_ =	shalt  }
0x66: {  	_ =	shalt  }
0x67: {  	_ =	shalt  }
0x68: {  	_ =	shalt  }
0x69: {  	_ =	shalt  }
0x6a: {  	_ =	shalt  }
0x6b: {  	_ =	shalt  }
0x6c: {  	_ =	shalt  }
0x6d: {  	_ =	shalt  }
0x6e: {  	_ =	shalt  }
0x6f: {  	_ =	shalt  }
0x70: {  	_ =	shalt  }
0x71: {  	_ =	shalt  }
0x72: {  	_ =	shalt  }
0x73: {  	_ =	shalt  }
0x74: {  	_ =	shalt  }
0x75: {  	_ =	shalt  }
0x76: {  	_ =	shalt  }
0x77: {  	_ =	shalt  }
0x78: {  	_ =	shalt  }
0x79: {  	_ =	shalt  }
0x7a: {  	_ =	shalt  }
0x7b: {  	_ =	shalt  }
0x7c: {  	_ =	shalt  }
0x7d: {  	_ =	shalt  }
0x7e: {  	_ =	shalt  }
0x7f: {  	_ =	shalt  }
0x80: {  	_ =	shalt  }
0x81: {  	_ =	shalt  }
0x82: {  	_ =	shalt  }
0x83: {  	_ =	shalt  }
0x84: {  	_ =	shalt  }
0x85: {  	_ =	shalt  }
0x86: {  	_ =	shalt  }
0x87: {  	_ =	shalt  }
.Lfunc_end0:
.L_simem_size_0:
called_computation_lowered:
.L_overlay_start_0:
0x88: {  	s0 =	sld [smem:$0x3FD9]  }
0x89: {  	s1 =	sld [smem:$0x3FFE];
	_ =	sdelay $0x3  }
0x8a: {  	s0 =	sadd.s32 s1, s0  }
0x8b: {  	[smem:$0x3FC4] =	sst s0  }
0x8c: {  	_ = 	snop  }
0x8d: {  	s0 =	sld [smem:$0x3FC7]  }
0x8e: {  	s16 =	sld [smem:$0x3FC6]  }
0x8f: {  	s2 =	sld [smem:$0x3FD0];
	(tm) =	ssettm $0x1  }
0x90: {  	s3 =	sld [smem:$0x3FFB];
	_ =	sdelay $0x3  }
0x91: {  	_ =	strace s3  }
0x92: {  	s3 =	sld [smem:$0x3FFC];
	_ =	sdelay $0x3  }
0x93: {  	_ =	strace s3  }
0x94: {  	s3 =	sld [smem:$0x3FFD];
	_ =	sdelay $0x3  }
0x95: {  	_ =	strace s3  }
0x96: {  	_ =	strace $0x8FFFFFFF  }
0x97: {  	s17 =	sld [smem:$0x3FDB];
	_ =	sdelay $0x1  }
0x98: {  	s4 =	simm.s32 $_scs_section_size  }
0x99: {  	s5 =	simm.s32 $_size__tile_overlayer_lowered;
	s6 =	simm.s32 $_tile_overlayer_lowered  }
0x9a: {  	s20 =	simm.s32 $0x1BFF;
	s19 =	sshll.u32 s6, $0x1;
	s3 =	sadd.s32 s4, s17  }
0x9b: {  	s7 =	simm.s32 $0x0;
	s18 =	sshll.u32 s5, $0x1;
	s5 =	sadd.s32 s19, s3  }
0x9c: {  	[timem:s7], [sflag:s20] =	dma.local [hbm:s5], s18  }
0x9d: {  	_ =	swait.ge [sflag:s20], s18  }
0x9e: {  	s4 =	ssub.s32 $0x0, s18;
	[sflag:s20] =	ssyncset.done $0x0  }
0x9f: {  	[sflag:s20] =	ssyncadd.s32 s4;
	_ =	sdelay $0x1  }
0xa0: {  	s21 =	simm.s32 $0x1B8B  }
0xa1: {  	_ =	swait.ge [sflag:s21], $0x1  }
0xa2: {  	[sflag:s21] =	ssyncset.done $0x0  }
0xa3: {  	s23 =	simm.s32 $0x1B8E;
	s22 =	sld [smem:$0x3FFE];
	[sflag:s21] =	ssyncadd.s32 $0xFFFFFFFF  }
0xa4: {  	s24 =	simm.s32 $execute0_lowered;
	[smem:$0x3FD2] =	sst s23  }
0xa5: {  	s5 =	sshll.u32 s24, $0x1;
	_ =	strace $0x80000046;
	[dreg:$0x1] =	wrdreg $0xFFFFFFFF  }
0xa6: {  	s25 =	simm.s32 $_size_execute0_lowered;
	s3 =	sadd.s32 s3, s5;
	[dreg:$0x0] =	wrdreg $0x0  }
0xa7: {  	s5 =	sshll.u32 s25, $0x1;
	[dreg:$0x2] =	wrdreg s3  }
0xa8: {  	[dreg:$0x3] =	wrdreg s5  }
0xa9: {  	[dreg:$0x4] =	wrdreg $0xC0  }
0xaa: {  	_ =	task [dreg:s7], $0x5FFFF  }
0xab: {  	[dreg:$0x1] =	wrdreg $0xFFFFFFFF  }
0xac: {  	[dreg:$0x0] =	wrdreg $0x60  }
0xad: {  	[dreg:$0x2] =	wrdreg s22  }
0xae: {  	[dreg:$0x3] =	wrdreg s16  }
0xaf: {  	[dreg:$0x4] =	wrdreg s0  }
0xb0: {  	[dreg:$0x5] =	wrdreg s2  }
0xb1: {  	[dreg:$0x6] =	wrdreg $0x1D000  }
0xb2: {  	[dreg:$0x7] =	wrdreg $0x9  }
0xb3: {  	_ =	task.clear_ibuf [dreg:s7], $0x8FFFF;
	_ =	strace $0x90000046  }
0xb4: {  	s26 =	simm.s32 $0x9;
	_ =	strace $0x80000048  }
0xb5: {  	_ =	swait.ge [sflag:s26], $0x1  }
0xb6: {  	[sflag:s26] =	ssyncadd.s32 $0xFFFFFFFF  }
0xb7: {  	_ =	strace $0x90000048  }
0xb8: {  	_ =	sfence  }
0xb9: {  	s28 =	sld [smem:$0x0];
	_ =	sdelay $0x1  }
0xba: {  	s29 =	srdreg.scid  }
0xbb: {  	s30 =	sshll.u32 s29, $0xD;
	s31 =	sshrl.u32 s29, $0x2  }
0xbc: {  	s1 =	sand.u32 $0x1, s29;
	s2 =	sand.u32 $0x4000, s30;
	s0 =	sadd.s32 s31, s28  }
0xbd: {  	s1 =	sor.u32 s2, s1;
	s0 =	sshll.u32 s0, $0x11  }
0xbe: {  	s0 =	sor.u32 s0, s1  }
0xbf: {  	s0 =	sadd.s32 $0x8F2B, s0  }
0xc0: {  	[sflag:s0] =	ssyncadd.remote.s32 $0x1  }
0xc1: {  	_ =	sfence.sel $0xFFFF  }
0xc2: {  	[dreg:$0x0] =	wrdreg $0xFFFFFFFF;
	(pc) =	sbr.abs _section_cstart, $3  }
0xc3: {  	[dreg:$0x1] =	wrdreg $0xFFFFFFFF  }
0xc4: {  	_ =	task.clear_ibuf [dreg:s7], $0x2FFFF;
	_ =	strace $0x9FFFFFFF  }
0xc5: {  	(tm) =	ssettm $0x7FFFFFFF  }
tec
execute0_lowered:
.L_overlay_start_1:
0x0: {  	(tag) =	ssettag $0x1  }
0x1: {  	s5 =	rddreg [dreg:$0x0]  }
0x2: {  	s6 =	rddreg [dreg:$0x1]  }
0x3: {  	s7 =	rddreg [dreg:$0x2]  }
0x4: {  	s1 =	rddreg [dreg:$0x3];
	s3 =	stileid.u32  }
0x5: {  	s2 =	rddreg [dreg:$0x4];
	s4 =	simm.s32 $0x0;
	s8 =	sshll.u32 s3, $0x7  }
0x6: {  	[smem:$0x7FF] =	sst s4;
	s5 =	sadd.s32 s8, s5  }
0x7: {  	s0 =	rddreg [dreg:$0x5];
	_ =	strace $0x80000047;
	s9 =	sadd.s32 $0x600, s5  }
0x8: {  	[tilespmem:s4], [sflag:$0x2] =	stream.linear.gather [hbm4b:s9+s4], $0x400, $0x38;
	[tilespmem:$0x1D40] =	vst v63  }
0x9: {  	s22 =	simm.s32 $0x400;
	s8 =	sand.u32 $0x700, s8;
	s5 =	sadd.s32 $0xE00, s5  }
0xa: {  	[tilespmem:s22], [sflag:$0x2] =	stream.linear.gather [hbm4b:s5+s4], $0x400, $0x38;
	[tilespmem:$0x1D40] =	vst v63  }
0xb: {  	s6 =	sadd.s32 s6, s8;
	s5 =	simm.s32 $0x800  }
0xc: {  	[tilespmem:s5], [sflag:$0x1] =	stream.linear.gather [hbm4b:s6+s4], $0x800, $0x38;
	[tilespmem:$0x1D40] =	vst v63  }
0xd: {  	s24 =	simm.s32 $0x1000;
	s25 =	simm.s32 $0x2;
	s23 =	sadd.s32 s7, s8  }
0xe: {  	[tilespmem:s24], [sflag:$0x1] =	stream.linear.gather [hbm4b:s23+s4], $0x800, $0x38;
	[tilespmem:$0x1D40] =	vst v63  }
0xf: {  	_ =	swait.ge [sflag:s25], $0x400  }
0x10: {  	[sflag:s25] =	ssyncset.done $0x0  }
0x11: {  	[sflag:s25] =	ssyncadd.s32 $0xFFFFFC00  }
0x12: {  	_ =	swait.ge [sflag:s25], $0x400  }
0x13: {  	[sflag:s25] =	ssyncset.done $0x0  }
0x14: {  	s26 =	simm.s32 $0x1;
	[sflag:s25] =	ssyncadd.s32 $0xFFFFFC00  }
0x15: {  	_ =	swait.ge [sflag:s26], $0x800  }
0x16: {  	[sflag:s26] =	ssyncset.done $0x0  }
0x17: {  	[sflag:s26] =	ssyncadd.s32 $0xFFFFF800  }
0x18: {  	_ =	swait.ge [sflag:s26], $0x800  }
0x19: {  	[sflag:s26] =	ssyncset.done $0x0  }
0x1a: {  	s28 =	simm.s32 $0x0;
	[sflag:s26] =	ssyncadd.s32 $0xFFFFF800  }
0x1b: {  	v3 =	vld [tilespmem:s28+$0x0];
	_ =	sdelay $0x4  }
0x1c: {  	v0 =	vshrl.u32 v3, $0x7;
	v1 =	vshrl.u32 v3, $0x9  }
0x1d: {  	v2 =	vshll.u32 v3, $0x2;
	v0 =	vand.u32 $0x1FFFE00, v0;
	v1 =	vand.u32 $0x7F, v1  }
0x1e: {  	s29 =	simm.s32 $0x10;
	v4 =	vand.u32 $0x7F, v3;
	v2 =	vand.u32 $0x600, v2;
	v0 =	vor.u32 v1, v0  }
0x1f: {  	v6 =	vld [tilespmem:s29+$0x0];
	v1 =	vor.u32 v4, v2;
	v2 =	vadd.s32 $0x900, v0  }
0x20: {  	v4 =	vor.u32 $0x900, v1;
	_ =	sdelay $0x1  }
0x21: {  	v0 =	vor.u32 $0x100, v0  }
0x22: {  	v1 =	vor.u32 $0x100, v1  }
0x23: {  	v7 =	vshrl.u32 v6, $0x7;
	v9 =	vshll.u32 v6, $0x2;
	v5 =	vld.idx.msk [tilespmem:v2+s5+$0x0], $0xffff  }
0x24: {  	s30 =	simm.s32 $0x20;
	v10 =	vand.u32 $0x7F, v6;
	v9 =	vand.u32 $0x600, v9;
	v8 =	vld.idx.msk [tilespmem:v4+s5+$0x0], $0xffff;
	v4 =	vshrl.u32 v6, $0x9  }
0x25: {  	v7 =	vand.u32 $0x1FFFE00, v7;
	v9 =	vor.u32 v10, v9;
	v2 =	vld [tilespmem:s30+$0x0];
	v4 =	vand.u32 $0x7F, v4  }
0x26: {  	v13 =	vor.u32 $0x900, v9;
	v11 =	vld.idx.msk [tilespmem:v0+s5+$0x0], $0xffff;
	v7 =	vor.u32 v4, v7  }
0x27: {  	v12 =	vld.idx.msk [tilespmem:v1+s5+$0x0], $0xffff;
	v10 =	vadd.s32 $0x900, v7  }
0x28: {  	vm0 =	vne.s32 v3, $0x0;
	v16 =	vor.u32 $0x100, v9;
	v0 =	vimm.f32 $0.0e+00  }
0x29: {  	v1 =	vimm.s32 $0x0;
	v4 =	vimm.f32 $1.000000000e+00;
	v5 =	vsub.f32 v8, v5  }
0x2a: {  	v4 =	vand.u32 $0x7FFFFFFF, v4;
	v14 =	vor.u32 $0x100, v7;
	v8 =	vshrl.u32 v2, $0x7  }
0x2b: {  	v9 =	vld.idx.msk [tilespmem:v13+s5+$0x0], $0xffff;
	v3 =	vand.u32 $0x80000000, v5;
	vm1 =	vlt.f32 v5, $0.0e+00;
	vm2 =	vgt.f32 v5, $0.0e+00  }
0x2c: {  	v7 =	vld.idx.msk [tilespmem:v10+s5+$0x0], $0xffff;
	v10 =	vsub.f32 v12, v11;
	v3 =	vor.u32 v3, v4;
	vm1 =	vmor vm2, vm1  }
0x2d: {  	s31 =	simm.s32 $0x30;
	v8 =	vand.u32 $0x1FFFE00, v8;
	v11 =	vshrl.u32 v2, $0x9;
	v5 =	vsel vm1, v3, v5  }
0x2e: {  	v12 =	vshll.u32 v2, $0x2;
	v3 =	vld [tilespmem:s31+$0x0];
	v11 =	vand.u32 $0x7F, v11;
	v5 =	vmul.f32 v5, v10  }
0x2f: {  	v10 =	vand.u32 $0x600, v12;
	v12 =	vand.u32 $0x7F, v2;
	v17 =	vor.u32 v11, v8  }
0x30: {  	v11 =	vld.idx.msk [tilespmem:v16+s5+$0x0], $0xffff;
	v15 =	vor.u32 v12, v10;
	v13 =	vadd.s32 $0x900, v17;
	v5 =	vsub.f32 $1.000000000e+00, v5  }
0x31: {  	v10 =	vsel vm0, $0x3F800000, v1;
	v12 =	vor.u32 $0x900, v15;
	v7 =	vsub.f32 v9, v7;
	v9 =	vld.idx.msk [tilespmem:v14+s5+$0x0], $0xffff  }
0x32: {  	vm0 =	vne.s32 v6, $0x0;
	v6 =	vimm.f32 $0.0e+00;
	v8 =	vmul.f32 v10, v5  }
0x33: {  	s6 =	simm.s32 $0x100;
	v5 =	vadd.f32 v10, v0;
	v14 =	vshrl.u32 v3, $0x7;
	v10 =	vor.u32 $0x100, v17  }
.LBB2_1:
0x34: {  	p0 =	sne.s32 s6, $0xFC0;
	v16 =	vor.u32 $0x100, v15;
	v15 =	vand.u32 $0x80000000, v7;
	v8 =	vmax.f32 v8, $0.0e+00  }
0x35: {  	vm1 =	vlt.f32 v7, $0.0e+00;
	vm2 =	vgt.f32 v7, $0.0e+00;
	v17 =	vld.idx.msk [tilespmem:v13+s5+$0x0], $0xffff;
	v6 =	vadd.f32 v8, v6  }
0x36: {  	v9 =	vsub.f32 v11, v9;
	v11 =	vor.u32 v15, v4;
	vm1 =	vmor vm2, vm1;
	v8 =	vld.idx.msk [tilespmem:v12+s5+$0x0], $0xffff  }
0x37: {  	s7 =	sshra.s32 s6, $0x2;
	v13 =	vshll.u32 v3, $0x2;
	v12 =	vshrl.u32 v3, $0x9;
	v7 =	vsel vm1, v11, v7  }
0x38: {  	v11 =	vand.u32 $0x1FFFE00, v14;
	v12 =	vand.u32 $0x7F, v12;
	v7 =	vmul.f32 v7, v9;
	v18 =	vld [tilespmem:s7+$0x0]  }
.Ltmp0:
0x39: {  	v13 =	vand.u32 $0x600, v13;
	v14 =	vand.u32 $0x7F, v3;
	v19 =	vor.u32 v12, v11;
	v9 =	vld.idx.msk [tilespmem:v10+s5+$0x0], $0xffff;
	(pc) =	sbr.rel @p0 .LBB2_1-.Ltmp0, $4  }
0x3a: {  	v15 =	vor.u32 v14, v13;
	v13 =	vadd.s32 $0x900, v19;
	v10 =	vsub.f32 $1.000000000e+00, v7;
	v11 =	vld.idx.msk [tilespmem:v16+s5+$0x0], $0xffff  }
0x3b: {  	v14 =	vsel vm0, $0x3F800000, v1;
	v12 =	vor.u32 $0x900, v15  }
0x3c: {  	v5 =	vadd.f32 v14, v5;
	v7 =	vsub.f32 v8, v17;
	v8 =	vmul.f32 v14, v10  }
0x3d: {  	s6 =	sadd.s32 $0x40, s6;
	vm0 =	vne.s32 v2, $0x0;
	v2 =	vmovc v3;
	v10 =	vor.u32 $0x100, v19;
	v14 =	vshrl.u32 v18, $0x7;
	v3 =	vmovc v18  }
0x3e: {  	_ =	sdelay $0x2  }
0x3f: {  	v15 =	vor.u32 $0x100, v15;
	v16 =	vshrl.u32 v3, $0x9  }
0x40: {  	v17 =	vshll.u32 v3, $0x2;
	v14 =	vand.u32 $0x1FFFE00, v14;
	v13 =	vld.idx.msk [tilespmem:v13+s5+$0x0], $0xffff;
	v16 =	vand.u32 $0x7F, v16  }
0x41: {  	v18 =	vand.u32 $0x7F, v3;
	v12 =	vld.idx.msk [tilespmem:v12+s5+$0x0], $0xffff;
	v17 =	vand.u32 $0x600, v17;
	v14 =	vor.u32 v16, v14  }
0x42: {  	v16 =	vor.u32 v18, v17;
	v17 =	vadd.s32 $0x900, v14  }
0x43: {  	v18 =	vor.u32 $0x900, v16  }
0x44: {  	v19 =	vand.u32 $0x80000000, v7;
	vm1 =	vlt.f32 v7, $0.0e+00;
	v10 =	vld.idx.msk [tilespmem:v10+s5+$0x0], $0xffff;
	vm2 =	vgt.f32 v7, $0.0e+00  }
0x45: {  	v9 =	vsub.f32 v11, v9;
	vm1 =	vmor vm2, vm1;
	v14 =	vor.u32 $0x100, v14;
	v11 =	vld.idx.msk [tilespmem:v15+s5+$0x0], $0xffff  }
0x46: {  	v16 =	vor.u32 $0x100, v16;
	v15 =	vor.u32 v19, v4;
	v12 =	vsub.f32 v12, v13  }
0x47: {  	v7 =	vsel vm1, v15, v7;
	v13 =	vld.idx.msk [tilespmem:v17+s5+$0x0], $0xffff  }
0x48: {  	s4 =	sand.u32 $0x3F0, s4;
	v7 =	vmul.f32 v7, v9;
	vm1 =	vlt.f32 v12, $0.0e+00;
	vm2 =	vgt.f32 v12, $0.0e+00;
	v9 =	vld.idx.msk [tilespmem:v18+s5+$0x0], $0xffff  }
0x49: {  	v15 =	vand.u32 $0x80000000, v12;
	vm1 =	vmor vm2, vm1;
	v17 =	vld [tilespmem:s4+$0x400]  }
0x4a: {  	v14 =	vld.idx.msk [tilespmem:v14+s5+$0x0], $0xffff;
	v7 =	vsub.f32 $1.000000000e+00, v7;
	v10 =	vsub.f32 v11, v10;
	v11 =	vor.u32 v15, v4  }
0x4b: {  	v8 =	vmax.f32 v8, $0.0e+00;
	v15 =	vsel vm0, $0x3F800000, v1;
	v11 =	vsel vm1, v11, v12;
	v12 =	vld.idx.msk [tilespmem:v16+s5+$0x0], $0xffff  }
0x4c: {  	v6 =	vadd.f32 v8, v6;
	v7 =	vmul.f32 v15, v7;
	v10 =	vmul.f32 v11, v10  }
0x4d: {  	vm0 =	vne.s32 v2, $0x0;
	v5 =	vadd.f32 v15, v5;
	v8 =	vsub.f32 v9, v13  }
0x4e: {  	v11 =	vshll.u32 v17, $0x2;
	v7 =	vmax.f32 v7, $0.0e+00;
	v2 =	vsub.f32 $1.000000000e+00, v10  }
0x4f: {  	v9 =	vand.u32 $0x80000000, v8;
	vm1 =	vlt.f32 v8, $0.0e+00;
	vm2 =	vgt.f32 v8, $0.0e+00  }
0x50: {  	v10 =	vsub.f32 v12, v14;
	v4 =	vor.u32 v9, v4;
	vm1 =	vmor vm2, vm1  }
0x51: {  	v9 =	vshrl.u32 v17, $0x9;
	v4 =	vsel vm1, v4, v8;
	v8 =	vshrl.u32 v17, $0x7  }
0x52: {  	v11 =	vand.u32 $0x600, v11;
	v9 =	vand.u32 $0x7F, v9;
	v8 =	vand.u32 $0x1FFFE00, v8  }
0x53: {  	s28 =	simm.s32 $0x10;
	v12 =	vand.u32 $0x7F, v17;
	v4 =	vmul.f32 v4, v10;
	v8 =	vor.u32 v9, v8  }
0x54: {  	s4 =	sand.u32 $0x3F0, s28;
	v9 =	vor.u32 v12, v11;
	v11 =	vsel vm0, $0x3F800000, v1;
	vm0 =	vne.s32 v3, $0x0  }
0x55: {  	v12 =	vor.u32 $0x800, v9;
	v2 =	vmul.f32 v11, v2;
	v3 =	vsub.f32 $1.000000000e+00, v4;
	v4 =	vld [tilespmem:s4+$0x400]  }
0x56: {  	s29 =	simm.s32 $0x20;
	v6 =	vadd.f32 v7, v6;
	v10 =	vadd.s32 $0x800, v8;
	v1 =	vsel vm0, $0x3F800000, v1  }
0x57: {  	s30 =	sand.u32 $0x3F0, s29;
	v5 =	vadd.f32 v11, v5;
	v2 =	vmax.f32 v2, $0.0e+00;
	v7 =	vmul.f32 v1, v3  }
0x58: {  	s4 =	simm.s32 $0x800;
	v3 =	vld [tilespmem:s30+$0x400];
	v2 =	vadd.f32 v2, v6  }
0x59: {  	v1 =	vadd.f32 v1, v5;
	v5 =	vmax.f32 v7, $0.0e+00;
	v8 =	vld.idx.msk [tilespmem:v8+s4+$0x0], $0xffff  }
0x5a: {  	v7 =	vld.idx.msk [tilespmem:v12+s4+$0x0], $0xffff;
	v2 =	vadd.f32 v5, v2;
	v5 =	vshrl.u32 v4, $0x7;
	v12 =	vshrl.u32 v4, $0x9  }
0x5b: {  	v10 =	vld.idx.msk [tilespmem:v10+s4+$0x0], $0xffff;
	v13 =	vshll.u32 v4, $0x2;
	v14 =	vand.u32 $0x1FFFE00, v5;
	v12 =	vand.u32 $0x7F, v12  }
0x5c: {  	v9 =	vld.idx.msk [tilespmem:v9+s4+$0x0], $0xffff;
	v11 =	vand.u32 $0x7F, v4;
	v13 =	vand.u32 $0x600, v13;
	v12 =	vor.u32 v12, v14  }
0x5d: {  	v14 =	vor.u32 v11, v13;
	v11 =	vadd.s32 $0x800, v12  }
0x5e: {  	v6 =	vimm.f32 $1.000000000e+00;
	v13 =	vor.u32 $0x800, v14  }
0x5f: {  	s31 =	simm.s32 $0x30;
	v6 =	vand.u32 $0x7FFFFFFF, v6;
	v5 =	vimm.s32 $0x0;
	v15 =	vshrl.u32 v3, $0x7  }
0x60: {  	s5 =	sand.u32 $0x3F0, s31;
	v16 =	vand.u32 $0x7F, v3;
	v18 =	vshrl.u32 v3, $0x9;
	v19 =	vsub.f32 v7, v10  }
0x61: {  	v18 =	vand.u32 $0x7F, v18;
	v8 =	vsub.f32 v9, v8;
	v7 =	vld [tilespmem:s5+$0x400];
	v10 =	vand.u32 $0x1FFFE00, v15  }
0x62: {  	v9 =	vand.u32 $0x80000000, v19;
	vm0 =	vlt.f32 v19, $0.0e+00;
	vm1 =	vgt.f32 v19, $0.0e+00;
	v11 =	vld.idx.msk [tilespmem:v11+s4+$0x0], $0xffff  }
0x63: {  	v15 =	vshll.u32 v3, $0x2;
	v9 =	vor.u32 v9, v6;
	vm0 =	vmor vm1, vm0;
	v13 =	vld.idx.msk [tilespmem:v13+s4+$0x0], $0xffff  }
0x64: {  	v15 =	vand.u32 $0x600, v15;
	v10 =	vor.u32 v18, v10;
	v12 =	vld.idx.msk [tilespmem:v12+s4+$0x0], $0xffff;
	v18 =	vsel vm0, v9, v19  }
0x65: {  	v14 =	vld.idx.msk [tilespmem:v14+s4+$0x0], $0xffff;
	v9 =	vor.u32 v16, v15;
	v15 =	vadd.s32 $0x800, v10;
	v8 =	vmul.f32 v18, v8  }
0x66: {  	vm0 =	vne.s32 v17, $0x0;
	v16 =	vor.u32 $0x800, v9;
	v19 =	vshrl.u32 v7, $0x7  }
0x67: {  	s5 =	simm.s32 $0x40;
	v17 =	vand.u32 $0x7F, v7;
	v18 =	vsub.f32 $1.000000000e+00, v8;
	v8 =	vimm.f32 $0.0e+00  }
.LBB2_3:
0x68: {  	s6 =	sand.u32 $0x3F0, s5;
	p0 =	sne.s32 s5, $0x3F0;
	v20 =	vshrl.u32 v7, $0x9;
	v21 =	vsub.f32 v13, v11;
	v22 =	vsel vm0, $0x3F800000, v5  }
0x69: {  	v19 =	vand.u32 $0x1FFFE00, v19;
	v24 =	vshll.u32 v7, $0x2;
	v23 =	vld [tilespmem:s6+$0x400];
	v18 =	vmul.f32 v22, v18  }
0x6a: {  	v20 =	vand.u32 $0x7F, v20;
	v25 =	vsub.f32 v14, v12;
	v11 =	vld.idx.msk [tilespmem:v15+s4+$0x0], $0xffff;
	v14 =	vand.u32 $0x80000000, v21  }
0x6b: {  	vm0 =	vlt.f32 v21, $0.0e+00;
	vm1 =	vgt.f32 v21, $0.0e+00;
	v13 =	vld.idx.msk [tilespmem:v16+s4+$0x0], $0xffff;
	v15 =	vmax.f32 v18, $0.0e+00  }
.Ltmp1:
0x6c: {  	v16 =	vor.u32 v14, v6;
	vm0 =	vmor vm1, vm0;
	v12 =	vld.idx.msk [tilespmem:v10+s4+$0x0], $0xffff;
	v0 =	vadd.f32 v15, v0;
	(pc) =	sbr.rel @p0 .LBB2_3-.Ltmp1, $4  }
0x6d: {  	v15 =	vand.u32 $0x600, v24;
	v10 =	vor.u32 v20, v19;
	v16 =	vsel vm0, v16, v21;
	v14 =	vld.idx.msk [tilespmem:v9+s4+$0x0], $0xffff  }
0x6e: {  	v9 =	vor.u32 v17, v15;
	v15 =	vadd.s32 $0x800, v10;
	v18 =	vmul.f32 v16, v25  }
0x6f: {  	v8 =	vadd.f32 v22, v8;
	vm0 =	vne.s32 v4, $0x0;
	v4 =	vmovc v3;
	v3 =	vmovc v7;
	v16 =	vor.u32 $0x800, v9  }
0x70: {  	s5 =	sadd.s32 $0x10, s5;
	v19 =	vshrl.u32 v23, $0x7;
	v17 =	vand.u32 $0x7F, v23;
	v7 =	vmovc v23;
	v18 =	vsub.f32 $1.000000000e+00, v18  }
0x71: {  	v20 =	vshrl.u32 v7, $0x9  }
0x72: {  	v19 =	vand.u32 $0x1FFFE00, v19;
	v21 =	vshll.u32 v7, $0x2;
	v20 =	vand.u32 $0x7F, v20  }
0x73: {  	v21 =	vand.u32 $0x600, v21;
	v19 =	vor.u32 v20, v19  }
0x74: {  	v17 =	vor.u32 v17, v21;
	v20 =	vadd.s32 $0x800, v19  }
0x75: {  	v15 =	vld.idx.msk [tilespmem:v15+s4+$0x0], $0xffff;
	v21 =	vor.u32 $0x800, v17  }
0x76: {  	v16 =	vld.idx.msk [tilespmem:v16+s4+$0x0], $0xffff  }
0x77: {  	v11 =	vsub.f32 v13, v11;
	v10 =	vld.idx.msk [tilespmem:v10+s4+$0x0], $0xffff  }
0x78: {  	v44 =	vsel vm0, $0x3F800000, v5;
	v9 =	vld.idx.msk [tilespmem:v9+s4+$0x0], $0xffff  }
0x79: {  	v45 =	vand.u32 $0x80000000, v11;
	vm8 =	vlt.f32 v11, $0.0e+00;
	vm1 =	vgt.f32 v11, $0.0e+00;
	v20 =	vld.idx.msk [tilespmem:v20+s4+$0x0], $0xffff  }
0x7a: {  	v12 =	vsub.f32 v14, v12;
	v14 =	vor.u32 v45, v6;
	vm0 =	vmor vm1, vm8;
	v21 =	vld.idx.msk [tilespmem:v21+s4+$0x0], $0xffff  }
0x7b: {  	vm11 =	vne.s32 v4, $0x0;
	v11 =	vsel vm0, v14, v11;
	v46 =	vsub.f32 v16, v15  }
0x7c: {  	vm14 =	vne.s32 v3, $0x0;
	vm15 =	vne.s32 v7, $0x0;
	v11 =	vmul.f32 v11, v12;
	v48 =	vld.idx.msk [tilespmem:v19+s4+$0x0], $0xffff  }
0x7d: {  	v16 =	vand.u32 $0x80000000, v46;
	vm9 =	vlt.f32 v46, $0.0e+00;
	vm10 =	vgt.f32 v46, $0.0e+00;
	v17 =	vld.idx.msk [tilespmem:v17+s4+$0x0], $0xffff  }
0x7e: {  	v9 =	vsub.f32 v9, v10;
	v49 =	vor.u32 v16, v6;
	vm0 =	vmor vm10, vm9  }
0x7f: {  	v18 =	vmul.f32 v44, v18;
	v50 =	vsel vm0, v49, v46;
	v51 =	vsub.f32 v21, v20  }
0x80: {  	v52 =	vsel vm11, $0x3F800000, v5;
	v11 =	vsub.f32 $1.000000000e+00, v11;
	v4 =	vmul.f32 v50, v9  }
0x81: {  	v53 =	vand.u32 $0x80000000, v51;
	vm12 =	vlt.f32 v51, $0.0e+00;
	vm13 =	vgt.f32 v51, $0.0e+00  }
0x82: {  	v12 =	vsub.f32 v17, v48;
	v54 =	vor.u32 v53, v6;
	vm0 =	vmor vm13, vm12  }
0x83: {  	v58 =	vadd.f32 v44, v8;
	v55 =	vmul.f32 v52, v11;
	v6 =	vsel vm0, v54, v51  }
0x84: {  	v47 =	vmax.f32 v18, $0.0e+00;
	v56 =	vsub.f32 $1.000000000e+00, v4;
	v57 =	vmul.f32 v6, v12  }
0x85: {  	v60 =	vsel vm14, $0x3F800000, v5;
	v0 =	vadd.f32 v47, v0;
	v59 =	vmax.f32 v55, $0.0e+00  }
0x86: {  	v3 =	vmul.f32 v60, v56;
	v6 =	vadd.f32 v52, v58;
	v4 =	vsub.f32 $1.000000000e+00, v57  }
0x87: {  	v61 =	vsel vm15, $0x3F800000, v5;
	v0 =	vadd.f32 v59, v0  }
0x88: {  	v3 =	vmax.f32 v3, $0.0e+00;
	v62 =	vadd.f32 v60, v6;
	v4 =	vmul.f32 v61, v4  }
0x89: {  	v0 =	vadd.f32 v3, v0  }
0x8a: {  	[tilespmem:$0x1800] =	vst v2;
	v63 =	vadd.f32 v61, v62;
	v4 =	vmax.f32 v4, $0.0e+00  }
0x8b: {  	[tilespmem:$0x1810] =	vst v1;
	v0 =	vadd.f32 v4, v0  }
0x8c: {  	s31 =	sshll.u32 s3, $0x6;
	[tilespmem:$0x1830] =	vst v63  }
0x8d: {  	s5 =	simm.s32 $0x1800;
	s4 =	sadd.s32 s31, s2;
	[tilespmem:$0x1820] =	vst v0  }
0x8e: {  	[spmem:s4] =	stream.linear.scatter [tilespmem:s5], [sflag:$0x3], $0x40, $0x38;
	[tilespmem:$0x1D40] =	vst v63  }
0x8f: {  	s4 =	simm.s32 $0x3  }
0x90: {  	_ =	swait.ge [sflag:s4], $0x40  }
0x91: {  	[sflag:s4] =	ssyncset.done $0x0  }
0x92: {  	[sflag:s4] =	ssyncadd.s32 $0xFFFFFFC0  }
0x93: {  	p0 =	sne.s32 s3, $0x0;
	[bflag:$0x0] =	sbarrier.arrive $0xFFFF  }
0x94: {  	_ =	sfence.sel @p0 $0x180000  }
0x95: {  	[bflag:$0x0] =	sbarrier.arrive @p0 $0xFFFF  }
0x96: {  	_ =	strace @p0 $0x90000047  }
0x97: {  	[bflag:$0x2] =	sbarrier.arrive @p0 $0xFFFF  }
0x98: {  	_ =	shalt @p0  }
.LBB2_5:
0x99: {  	s3 =	simm.s32 $0x1880  }
0x9a: {  	[tilespmem:s3], [sflag:$0x3] =	stream.linear.gather [spmem:s2], $0x400, $0x38;
	[tilespmem:$0x1D40] =	vst v63  }
0x9b: {  	_ =	swait.ge [sflag:s4], $0x400  }
0x9c: {  	[sflag:s4] =	ssyncset.done $0x0  }
0x9d: {  	s31 =	simm.s32 $0x0;
	[sflag:s4] =	ssyncadd.s32 $0xFFFFFC00  }
0x9e: {  	v1 =	vld [tilespmem:s31+$0x18B0]  }
0x9f: {  	v2 =	vld [tilespmem:s31+$0x1880]  }
0xa0: {  	v0 =	vimm.f32 $0.0e+00;
	v3 =	vld [tilespmem:s31+$0x1890]  }
0xa1: {  	v5 =	vimm.f32 $0.0e+00;
	v6 =	vimm.f32 $0.0e+00;
	v7 =	vimm.f32 $0.0e+00;
	s2 =	simm.s32 $0x100;
	v4 =	vld [tilespmem:s31+$0x18A0]  }
.LBB2_6:
0xa2: {  	p0 =	sne.s32 s2, $0xF00  }
.Ltmp2:
0xa3: {  	s3 =	sshra.s32 s2, $0x2;
	s2 =	sadd.s32 $0x100, s2;
	v0 =	vadd.f32 v1, v0;
	(pc) =	sbr.rel @p0 .LBB2_6-.Ltmp2, $4  }
0xa4: {  	v1 =	vld [tilespmem:s3+$0x18B0];
	v5 =	vadd.f32 v2, v5  }
0xa5: {  	v2 =	vld [tilespmem:s3+$0x1880];
	v6 =	vadd.f32 v3, v6  }
0xa6: {  	v3 =	vld [tilespmem:s3+$0x1890];
	v7 =	vadd.f32 v4, v7  }
0xa7: {  	v4 =	vld [tilespmem:s3+$0x18A0]  }
0xa8: {  	_ =	sdelay $0x1  }
0xa9: {  	v2 =	vadd.f32 v2, v5  }
0xaa: {  	v3 =	vadd.f32 v3, v6  }
0xab: {  	v4 =	vadd.f32 v4, v7;
	(xrf2) =	vadd.scan.msk.f32 $0xffff, v2  }
0xac: {  	v0 =	vadd.f32 v1, v0;
	(xrf2) =	vadd.scan.msk.f32 $0xffff, v3  }
0xad: {  	(xrf2) =	vadd.scan.msk.f32 $0xffff, v4  }
0xae: {  	(xrf2) =	vadd.scan.msk.f32 $0xffff, v0;
	_ =	sdelay $0x6  }
0xaf: {  	v59, _, _ =	vpop (xrf2)  }
0xb0: {  	v60, _, _ =	vpop (xrf2)  }
0xb1: {  	v61, _, _ =	vpop (xrf2)  }
0xb2: {  	v1 =	vadd.f32 $9.999999740e-06, v60;
	v62, _, _ =	vpop (xrf2)  }
0xb3: {  	v3 =	vadd.f32 $9.999999740e-06, v62  }
0xb4: {  	v1 =	vbroadcast v1, $0xF  }
0xb5: {  	v3 =	vbroadcast v3, $0xF  }
0xb6: {  	(erf) = vrcp.f32 v1  }
0xb7: {  	(erf) = vrcp.f32 v3;
	_ =	sdelay $0x7  }
0xb8: {  	v0 =	vbroadcast v59, $0xF;
	v2 =	vbroadcast v61, $0xF;
	v1 =	vpop (erf)  }
0xb9: {  	v3 =	vpop (erf)  }
0xba: {  	v0 =	vmul.f32 v1, v0;
	v63 =	vmul.f32 v3, v2;
	_ =	sdelay $0x1  }
0xbb: {  	v0 =	vadd.f32 v63, v0;
	_ =	sdelay $0x1  }
0xbc: {  	s2 =	simm.s32 $0x0;
	s3 =	simm.s32 $0x1C80;
	s31 =	simm.s32 $0x3;
	[tilespmem:$0x1C80] =	vst v0  }
0xbd: {  	[hbm4b:s1+s2] =	stream.linear.scatter [tilespmem:s3], [sflag:$0x3], $0x80, $0x38;
	[tilespmem:$0x1D40] =	vst v63  }
0xbe: {  	_ =	swait.ge [sflag:s31], $0x80  }
0xbf: {  	[sflag:s31] =	ssyncset.done $0x0  }
0xc0: {  	[sflag:s31] =	ssyncadd.s32 $0xFFFFFF80  }
0xc1: {  	_ =	sfence.sel $0x180000  }
0xc2: {  	[bflag:$0x0] =	sbarrier.arrive $0xFFFF  }
0xc3: {  	_ =	strace $0x90000047  }
0xc4: {  	s0 =	sadd.s32 $0x100000, s0;
	[bflag:$0x2] =	sbarrier.arrive $0xFFFF  }
0xc5: {  	[sflag:s0] =	ssyncadd.tile.s32 $0x1;
	_ =	shalt  }
.Lfunc_end2:
_tile_overlayer_lowered:
.L_overlay_start_2:
0xc6: {  	(tag) =	ssettag $0x2  }
0xc7: {  	s0 =	rddreg [dreg:$0x0];
	s2 =	stileid.u32  }
0xc8: {  	s1 =	rddreg [dreg:$0x1];
	p0 =	sne.s32 s2, $0x0  }
0xc9: {  	s3 =	rddreg [dreg:$0x2];
	[bflag:$0x3] =	sbarrier.arrive $0xFFFF;
	s2 =	simm.s32 @!p0 $0x1C03  }
0xca: {  	[timem:s3], [sflag:s2] =	dma.local @!p0 [hbm:s0], s1  }
0xcb: {  	s0 =	simm.s32 @!p0 $0x3  }
0xcc: {  	_ =	swait.ge @!p0 [sflag:s0], s1  }
0xcd: {  	s1 =	ssub.s32 @!p0 $0x0, s1;
	[sflag:s0] =	ssyncset.done @!p0 $0x0  }
0xce: {  	[sflag:s0] =	ssyncadd.s32 @!p0 s1  }
0xcf: {  	[bflag:$0x3] =	sbarrier.arrive $0xFFFF  }
0xd0: {  	_ =	shalt  }

</sc_bundles>
